<compile_context>
chip_gen: v7x
topology: tpu7x:2x2x1
jax: 0.10.2.dev20260603
libtpu: 0.0.44.dev20260713+nightly
codegen_flags: <defaults>
</compile_context>

<pallas_src>
import functools

import jax
import jax.numpy as jnp
from jax import lax
from jax.experimental import pallas as pl
from jax.experimental.pallas import tpu as pltpu
from jax.experimental.pallas import tpu_sc as plsc

_N = 16384
_C = 1000
_NC = 2
_NS = 16
_NW = _NC * _NS
_RPW = _N // _NW
_L = 16
_BR = 32
_NCH = _RPW // _BR

_mesh = plsc.VectorSubcoreMesh(core_axis_name="c", subcore_axis_name="s")


@functools.partial(
    pl.kernel,
    mesh=_mesh,
    out_type=jax.ShapeDtypeStruct((_NW, _L), jnp.float32),
    scratch_types=[
        pltpu.VMEM((_RPW,), jnp.int32),
        pltpu.VMEM((_RPW,), jnp.float32),
        pltpu.VMEM((2, _BR, _C), jnp.float32),
        pltpu.VMEM((_L,), jnp.float32),
        pltpu.SemaphoreType.DMA,
        pltpu.SemaphoreType.DMA,
    ],
)
def _pg_loss_sc(pred_hbm, tgt_hbm, rew_hbm, out_hbm,
                tgt_v, rew_v, buf_v, st_v,
                sem0, sem1):
    cid = lax.axis_index("c")
    sid = lax.axis_index("s")
    wid = sid * _NC + cid
    base = wid * _RPW

    pltpu.sync_copy(tgt_hbm.at[pl.ds(base, _RPW)], tgt_v)
    pltpu.sync_copy(rew_hbm.at[pl.ds(base, _RPW)], rew_v)

    sems = (sem0, sem1)

    def start(ch, slot):
        pltpu.async_copy(
            pred_hbm.at[pl.ds(base + ch * _BR, _BR), :],
            buf_v.at[slot], sems[slot])

    def drain(slot):
        pltpu.make_async_copy(
            pred_hbm.at[pl.ds(base, _BR), :],
            buf_v.at[slot], sems[slot]).wait()

    lane = lax.iota(jnp.int32, _L)

    def fold(ch, slot, acc):
        for q in range(_BR // _L):
            t16 = tgt_v[pl.ds(ch * _BR + q * _L, _L)]
            w16 = rew_v[pl.ds(ch * _BR + q * _L, _L)]
            for u in range(_L):
                j = q * _L + u
                t = t16[u]
                c16 = pl.multiple_of((t >> 4) << 4, _L)
                p = t & 15
                v16 = buf_v[slot, j, pl.ds(c16, _L)]
                acc = acc + jnp.where(lane == p, v16, 0.0) * w16[u]
        return acc

    start(0, 0)
    start(1, 1)

    def body(i, acc):
        ch0 = i * 2
        drain(0)
        acc = fold(ch0, 0, acc)

        @pl.when(ch0 + 2 < _NCH)
        def _():
            start(ch0 + 2, 0)

        drain(1)
        acc = fold(ch0 + 1, 1, acc)

        @pl.when(ch0 + 3 < _NCH)
        def _():
            start(ch0 + 3, 1)

        return acc

    acc = lax.fori_loop(0, _NCH // 2, body, jnp.zeros((_L,), jnp.float32),
                        unroll=False)

    st_v[...] = -acc
    pltpu.sync_copy(st_v, out_hbm.at[wid])


def kernel(pred, target, reward):
    tgt = target.astype(jnp.int32)
    rew = reward.astype(jnp.float32)
    partials = _pg_loss_sc(pred, tgt, rew)
    return jnp.sum(partials)

# --- scband reference (transcript-rebuilt; emitter-appended) ---
"""Pipeline reference for scband-pgloss-4011499455216 (READ-ONLY COPY).

The authoritative reference and input builder live on the scoring server;
editing this copy changes nothing except your own understanding.
"""

import jax, jax.numpy as jnp
import numpy as np


def setup_inputs(seed: int = 0) -> dict:
    key = jax.random.key(seed)
    k1, k2, k3 = jax.random.split(key, 3)
    pred = jax.random.normal(k1, (16384, 1000), dtype=jnp.float32)
    target = jax.random.randint(k2, (16384,), 0, 1000, dtype=jnp.int64)
    reward = jax.random.uniform(k3, (16384,), dtype=jnp.float32)
    return {"pred": pred, "target": target, "reward": reward}


def reference(pred, target, reward):
    # torch: one_hot.scatter_(1, target.view(-1,1), 1); masked_select(pred, one_hot)
    # This selects exactly pred[i, target[i]] for each row i -> gather via take_along_axis.
    selected = jnp.take_along_axis(pred, target.reshape(-1, 1), axis=1)[:, 0]
    loss = selected * reward.reshape(-1)
    loss = -jnp.sum(loss)
    return loss

if __name__ == "__main__":
    import jax
    _d = setup_inputs()
    print(jax.jit(kernel)(*tuple(_d.values())))

</pallas_src>

<mosaic_0001>
#map = affine_map<(d0, d1) -> (0, 0)>
#map1 = affine_map<(d0, d1) -> (0)>
module attributes {stable_mosaic.version = 14 : i64} {
  func.func @_pg_loss_sc(%arg0: i32, %arg1: i32, %arg2: memref<16384x1000xf32, #tpu.memory_space<hbm>>, %arg3: memref<16384xi32, #tpu.memory_space<hbm>>, %arg4: memref<16384xf32, #tpu.memory_space<hbm>>, %arg5: memref<32x16xf32, #tpu.memory_space<hbm>>, %arg6: memref<512xi32, #tpu.memory_space<vmem>>, %arg7: memref<512xf32, #tpu.memory_space<vmem>>, %arg8: memref<2x32x1000xf32, #tpu.memory_space<vmem>>, %arg9: memref<16xf32, #tpu.memory_space<vmem>>, %arg10: memref<!tpu.dma_semaphore, #tpu.memory_space<semaphore_mem>>, %arg11: memref<!tpu.dma_semaphore, #tpu.memory_space<semaphore_mem>>) attributes {dimension_semantics = [#tpu.dimension_semantics<core_parallel>, #tpu.dimension_semantics<subcore_parallel>], iteration_bounds = array<i64: 2, 16>, scalar_prefetch = 0 : i64, scratch_operands = 6 : i64, tpu.core_type = #tpu.core_type<sc_vector_subcore>, window_params = [{transform_indices = #map}, {transform_indices = #map1}, {transform_indices = #map1}, {transform_indices = #map}]} {
    %mul3A = arith.constant 2 : i32
    %mul3A_0 = arith.muli %arg1, %mul3A : i32
    %add3A = arith.addi %mul3A_0, %arg0 : i32
    %mul3A_1 = arith.constant 512 : i32
    %mul3A_2 = arith.muli %add3A, %mul3A_1 : i32
    "tpu.region"() ({
      %run_scoped3A = tpu.sem_alloc : memref<!tpu.dma_semaphore, #tpu.memory_space<semaphore_mem>>
      %dma_start3A_43 = tpu.memref_slice %arg3[%mul3A_2] : memref<16384xi32, #tpu.memory_space<hbm>> -> memref<512xi32, #tpu.memory_space<hbm>>
      %dma_start3A_44 = tpu.memref_slice %arg3[%mul3A_2] : memref<16384xi32, #tpu.memory_space<hbm>> -> memref<512xi32, #tpu.memory_space<hbm>>
      tpu.enqueue_dma source(%dma_start3A_44 : memref<512xi32, #tpu.memory_space<hbm>>) target(%arg6 : memref<512xi32, #tpu.memory_space<vmem>>) target_semaphore(%run_scoped3A : memref<!tpu.dma_semaphore, #tpu.memory_space<semaphore_mem>>)
      %dma_wait3A = tpu.memref_slice %arg3[%mul3A_2] : memref<16384xi32, #tpu.memory_space<hbm>> -> memref<512xi32, #tpu.memory_space<hbm>>
      %dma_wait3A_45 = tpu.memref_slice %arg3[%mul3A_2] : memref<16384xi32, #tpu.memory_space<hbm>> -> memref<512xi32, #tpu.memory_space<hbm>>
      tpu.wait_dma2 semaphore(%run_scoped3A : memref<!tpu.dma_semaphore, #tpu.memory_space<semaphore_mem>>) src(%dma_wait3A_45 : memref<512xi32, #tpu.memory_space<hbm>>) dst(%arg6 : memref<512xi32, #tpu.memory_space<vmem>>)
      tpu.yield
    }) : () -> ()
    "tpu.region"() ({
      %run_scoped3A = tpu.sem_alloc : memref<!tpu.dma_semaphore, #tpu.memory_space<semaphore_mem>>
      %dma_start3A_43 = tpu.memref_slice %arg4[%mul3A_2] : memref<16384xf32, #tpu.memory_space<hbm>> -> memref<512xf32, #tpu.memory_space<hbm>>
      %dma_start3A_44 = tpu.memref_slice %arg4[%mul3A_2] : memref<16384xf32, #tpu.memory_space<hbm>> -> memref<512xf32, #tpu.memory_space<hbm>>
      tpu.enqueue_dma source(%dma_start3A_44 : memref<512xf32, #tpu.memory_space<hbm>>) target(%arg7 : memref<512xf32, #tpu.memory_space<vmem>>) target_semaphore(%run_scoped3A : memref<!tpu.dma_semaphore, #tpu.memory_space<semaphore_mem>>)
      %dma_wait3A = tpu.memref_slice %arg4[%mul3A_2] : memref<16384xf32, #tpu.memory_space<hbm>> -> memref<512xf32, #tpu.memory_space<hbm>>
      %dma_wait3A_45 = tpu.memref_slice %arg4[%mul3A_2] : memref<16384xf32, #tpu.memory_space<hbm>> -> memref<512xf32, #tpu.memory_space<hbm>>
      tpu.wait_dma2 semaphore(%run_scoped3A : memref<!tpu.dma_semaphore, #tpu.memory_space<semaphore_mem>>) src(%dma_wait3A_45 : memref<512xf32, #tpu.memory_space<hbm>>) dst(%arg7 : memref<512xf32, #tpu.memory_space<vmem>>)
      tpu.yield
    }) : () -> ()
    %iota3A = tpu.iota {dimensions = array<i32: 0>} : vector<16xi32>
    %add3A_3 = arith.constant 0 : i32
    %add3A_4 = arith.addi %mul3A_2, %add3A_3 : i32
    %dma_start3A = arith.constant 0 : i32
    %dma_start3A_5 = arith.constant 0 : i32
    %dma_start3A_6 = arith.constant 0 : i32
    %dma_start3A_7 = tpu.memref_slice %arg8[%dma_start3A, %dma_start3A_5, %dma_start3A_6] : memref<2x32x1000xf32, #tpu.memory_space<vmem>> -> memref<1x32x1000xf32, #tpu.memory_space<vmem>>
    %dma_start3A_8 = tpu.memref_squeeze %dma_start3A_7 : memref<1x32x1000xf32, #tpu.memory_space<vmem>> -> memref<32x1000xf32, #tpu.memory_space<vmem>>
    %dma_start3A_9 = arith.constant 0 : i32
    %dma_start3A_10 = tpu.memref_slice %arg2[%add3A_4, %dma_start3A_9] : memref<16384x1000xf32, #tpu.memory_space<hbm>> -> memref<32x1000xf32, #tpu.memory_space<hbm>>
    %dma_start3A_11 = arith.constant 0 : i32
    %dma_start3A_12 = arith.constant 0 : i32
    %dma_start3A_13 = tpu.memref_slice %arg8[%dma_start3A, %dma_start3A_11, %dma_start3A_12] : memref<2x32x1000xf32, #tpu.memory_space<vmem>> -> memref<1x32x1000xf32, #tpu.memory_space<vmem>>
    %dma_start3A_14 = tpu.memref_squeeze %dma_start3A_13 : memref<1x32x1000xf32, #tpu.memory_space<vmem>> -> memref<32x1000xf32, #tpu.memory_space<vmem>>
    %dma_start3A_15 = arith.constant 0 : i32
    %dma_start3A_16 = tpu.memref_slice %arg2[%add3A_4, %dma_start3A_15] : memref<16384x1000xf32, #tpu.memory_space<hbm>> -> memref<32x1000xf32, #tpu.memory_space<hbm>>
    tpu.enqueue_dma source(%dma_start3A_16 : memref<32x1000xf32, #tpu.memory_space<hbm>>) target(%dma_start3A_14 : memref<32x1000xf32, #tpu.memory_space<vmem>>) target_semaphore(%arg10 : memref<!tpu.dma_semaphore, #tpu.memory_space<semaphore_mem>>)
    %add3A_17 = arith.constant 32 : i32
    %add3A_18 = arith.addi %mul3A_2, %add3A_17 : i32
    %dma_start3A_19 = arith.constant 1 : i32
    %dma_start3A_20 = arith.constant 0 : i32
    %dma_start3A_21 = arith.constant 0 : i32
    %dma_start3A_22 = tpu.memref_slice %arg8[%dma_start3A_19, %dma_start3A_20, %dma_start3A_21] : memref<2x32x1000xf32, #tpu.memory_space<vmem>> -> memref<1x32x1000xf32, #tpu.memory_space<vmem>>
    %dma_start3A_23 = tpu.memref_squeeze %dma_start3A_22 : memref<1x32x1000xf32, #tpu.memory_space<vmem>> -> memref<32x1000xf32, #tpu.memory_space<vmem>>
    %dma_start3A_24 = arith.constant 0 : i32
    %dma_start3A_25 = tpu.memref_slice %arg2[%add3A_18, %dma_start3A_24] : memref<16384x1000xf32, #tpu.memory_space<hbm>> -> memref<32x1000xf32, #tpu.memory_space<hbm>>
    %dma_start3A_26 = arith.constant 0 : i32
    %dma_start3A_27 = arith.constant 0 : i32
    %dma_start3A_28 = tpu.memref_slice %arg8[%dma_start3A_19, %dma_start3A_26, %dma_start3A_27] : memref<2x32x1000xf32, #tpu.memory_space<vmem>> -> memref<1x32x1000xf32, #tpu.memory_space<vmem>>
    %dma_start3A_29 = tpu.memref_squeeze %dma_start3A_28 : memref<1x32x1000xf32, #tpu.memory_space<vmem>> -> memref<32x1000xf32, #tpu.memory_space<vmem>>
    %dma_start3A_30 = arith.constant 0 : i32
    %dma_start3A_31 = tpu.memref_slice %arg2[%add3A_18, %dma_start3A_30] : memref<16384x1000xf32, #tpu.memory_space<hbm>> -> memref<32x1000xf32, #tpu.memory_space<hbm>>
    tpu.enqueue_dma source(%dma_start3A_31 : memref<32x1000xf32, #tpu.memory_space<hbm>>) target(%dma_start3A_29 : memref<32x1000xf32, #tpu.memory_space<vmem>>) target_semaphore(%arg11 : memref<!tpu.dma_semaphore, #tpu.memory_space<semaphore_mem>>)
    %broadcast_in_dim3A = arith.constant 0.000000e+00 : f32
    %broadcast_in_dim3A_32 = vector.broadcast %broadcast_in_dim3A : f32 to vector<16xf32>
    %scan3A = arith.constant 0 : i32
    %scan3A_33 = arith.constant 8 : i32
    %scan3A_34 = arith.addi %scan3A, %scan3A_33 : i32
    %scan3A_35 = arith.constant 1 : i32
    %scan3A_36 = scf.for %scan3A_43 = %scan3A to %scan3A_34 step %scan3A_35 iter_args(%scan3A_44 = %broadcast_in_dim3A_32) -> (vector<16xf32>)  : i32 {
      %mul3A_45 = arith.constant 2 : i32
      %mul3A_46 = arith.muli %scan3A_43, %mul3A_45 : i32
      %dma_wait3A = arith.constant 0 : i32
      %dma_wait3A_47 = arith.constant 0 : i32
      %dma_wait3A_48 = arith.constant 0 : i32
      %dma_wait3A_49 = tpu.memref_slice %arg8[%dma_wait3A, %dma_wait3A_47, %dma_wait3A_48] : memref<2x32x1000xf32, #tpu.memory_space<vmem>> -> memref<1x32x1000xf32, #tpu.memory_space<vmem>>
      %dma_wait3A_50 = tpu.memref_squeeze %dma_wait3A_49 : memref<1x32x1000xf32, #tpu.memory_space<vmem>> -> memref<32x1000xf32, #tpu.memory_space<vmem>>
      %dma_wait3A_51 = arith.constant 0 : i32
      %dma_wait3A_52 = tpu.memref_slice %arg2[%mul3A_2, %dma_wait3A_51] : memref<16384x1000xf32, #tpu.memory_space<hbm>> -> memref<32x1000xf32, #tpu.memory_space<hbm>>
      %dma_wait3A_53 = arith.constant 0 : i32
      %dma_wait3A_54 = arith.constant 0 : i32
      %dma_wait3A_55 = tpu.memref_slice %arg8[%dma_wait3A, %dma_wait3A_53, %dma_wait3A_54] : memref<2x32x1000xf32, #tpu.memory_space<vmem>> -> memref<1x32x1000xf32, #tpu.memory_space<vmem>>
      %dma_wait3A_56 = tpu.memref_squeeze %dma_wait3A_55 : memref<1x32x1000xf32, #tpu.memory_space<vmem>> -> memref<32x1000xf32, #tpu.memory_space<vmem>>
      %dma_wait3A_57 = arith.constant 0 : i32
      %dma_wait3A_58 = tpu.memref_slice %arg2[%mul3A_2, %dma_wait3A_57] : memref<16384x1000xf32, #tpu.memory_space<hbm>> -> memref<32x1000xf32, #tpu.memory_space<hbm>>
      tpu.wait_dma2 semaphore(%arg10 : memref<!tpu.dma_semaphore, #tpu.memory_space<semaphore_mem>>) src(%dma_wait3A_58 : memref<32x1000xf32, #tpu.memory_space<hbm>>) dst(%dma_wait3A_56 : memref<32x1000xf32, #tpu.memory_space<vmem>>)
      %mul3A_59 = arith.constant 32 : i32
      %mul3A_60 = arith.muli %mul3A_46, %mul3A_59 : i32
      %add3A_61 = arith.constant 0 : i32
      %add3A_62 = arith.addi %mul3A_60, %add3A_61 : i32
      %get3A = arith.index_cast %add3A_62 : i32 to index
      %get3A_63 = tpu.vector_load %arg6[%get3A] {strides = array<i32>} : memref<512xi32, #tpu.memory_space<vmem>>, vector<16xi32>,
      %get3A_64 = vector.shape_cast %get3A_63 : vector<16xi32> to vector<16xi32>
      %mul3A_65 = arith.constant 32 : i32
      %mul3A_66 = arith.muli %mul3A_46, %mul3A_65 : i32
      %add3A_67 = arith.constant 0 : i32
      %add3A_68 = arith.addi %mul3A_66, %add3A_67 : i32
      %get3A_69 = arith.index_cast %add3A_68 : i32 to index
      %get3A_70 = tpu.vector_load %arg7[%get3A_69] {strides = array<i32>} : memref<512xf32, #tpu.memory_space<vmem>>, vector<16xf32>,
      %get3A_71 = vector.shape_cast %get3A_70 : vector<16xf32> to vector<16xf32>
      %slice3A = vector.extract_strided_slice %get3A_64 {offsets = [0], sizes = [1], strides = [1]} : vector<16xi32> to vector<1xi32>
      %squeeze3A = vector.extract %slice3A[0] : i32 from vector<1xi32>
      %shift_right_arithmetic3A = arith.constant 4 : i32
      %shift_right_arithmetic3A_72 = arith.shrsi %squeeze3A, %shift_right_arithmetic3A : i32
      %shift_left3A = arith.constant 4 : i32
      %shift_left3A_73 = arith.shli %shift_right_arithmetic3A_72, %shift_left3A : i32
      %multiple_of3A = tpu.assume_multiple %shift_left3A_73, 16 : i32
      %and3A = arith.constant 15 : i32
      %and3A_74 = arith.andi %squeeze3A, %and3A : i32
      %get3A_75 = arith.constant 0 : i32
      %get3A_76 = arith.constant 0 : i32
      %get3A_77 = arith.index_cast %get3A_75 : i32 to index
      %get3A_78 = arith.index_cast %get3A_76 : i32 to index
      %get3A_79 = arith.index_cast %multiple_of3A : i32 to index
      %get3A_80 = tpu.vector_load %arg8[%get3A_77, %get3A_78, %get3A_79] {strides = array<i32>} : memref<2x32x1000xf32, #tpu.memory_space<vmem>>, vector<1x1x16xf32>,
      %get3A_81 = vector.shape_cast %get3A_80 : vector<1x1x16xf32> to vector<16xf32>
      %eq3A = vector.broadcast %and3A_74 : i32 to vector<16xi32>
      %eq3A_82 = arith.cmpi eq, %iota3A, %eq3A : vector<16xi32>
      %jit3A = arith.constant 0.000000e+00 : f32
      %broadcast_in_dim3A_83 = vector.broadcast %jit3A : f32 to vector<16xf32>
      %select_n3A = arith.select %eq3A_82, %get3A_81, %broadcast_in_dim3A_83 : vector<16xi1>, vector<16xf32>
      %slice3A_84 = vector.extract_strided_slice %get3A_71 {offsets = [0], sizes = [1], strides = [1]} : vector<16xf32> to vector<1xf32>
      %squeeze3A_85 = vector.extract %slice3A_84[0] : f32 from vector<1xf32>
      %mul3A_86 = vector.broadcast %squeeze3A_85 : f32 to vector<16xf32>
      %mul3A_87 = arith.mulf %select_n3A, %mul3A_86 : vector<16xf32>
      %add3A_88 = arith.addf %scan3A_44, %mul3A_87 : vector<16xf32>
      %slice3A_89 = vector.extract_strided_slice %get3A_64 {offsets = [1], sizes = [1], strides = [1]} : vector<16xi32> to vector<1xi32>
      %squeeze3A_90 = vector.extract %slice3A_89[0] : i32 from vector<1xi32>
      %shift_right_arithmetic3A_91 = arith.constant 4 : i32
      %shift_right_arithmetic3A_92 = arith.shrsi %squeeze3A_90, %shift_right_arithmetic3A_91 : i32
      %shift_left3A_93 = arith.constant 4 : i32
      %shift_left3A_94 = arith.shli %shift_right_arithmetic3A_92, %shift_left3A_93 : i32
      %multiple_of3A_95 = tpu.assume_multiple %shift_left3A_94, 16 : i32
      %and3A_96 = arith.constant 15 : i32
      %and3A_97 = arith.andi %squeeze3A_90, %and3A_96 : i32
      %get3A_98 = arith.constant 0 : i32
      %get3A_99 = arith.constant 1 : i32
      %get3A_100 = arith.index_cast %get3A_98 : i32 to index
      %get3A_101 = arith.index_cast %get3A_99 : i32 to index
      %get3A_102 = arith.index_cast %multiple_of3A_95 : i32 to index
      %get3A_103 = tpu.vector_load %arg8[%get3A_100, %get3A_101, %get3A_102] {strides = array<i32>} : memref<2x32x1000xf32, #tpu.memory_space<vmem>>, vector<1x1x16xf32>,
      %get3A_104 = vector.shape_cast %get3A_103 : vector<1x1x16xf32> to vector<16xf32>
      %eq3A_105 = vector.broadcast %and3A_97 : i32 to vector<16xi32>
      %eq3A_106 = arith.cmpi eq, %iota3A, %eq3A_105 : vector<16xi32>
      %jit3A_107 = arith.constant 0.000000e+00 : f32
      %broadcast_in_dim3A_108 = vector.broadcast %jit3A_107 : f32 to vector<16xf32>
      %select_n3A_109 = arith.select %eq3A_106, %get3A_104, %broadcast_in_dim3A_108 : vector<16xi1>, vector<16xf32>
      %slice3A_110 = vector.extract_strided_slice %get3A_71 {offsets = [1], sizes = [1], strides = [1]} : vector<16xf32> to vector<1xf32>
      %squeeze3A_111 = vector.extract %slice3A_110[0] : f32 from vector<1xf32>
      %mul3A_112 = vector.broadcast %squeeze3A_111 : f32 to vector<16xf32>
      %mul3A_113 = arith.mulf %select_n3A_109, %mul3A_112 : vector<16xf32>
      %add3A_114 = arith.addf %add3A_88, %mul3A_113 : vector<16xf32>
      %slice3A_115 = vector.extract_strided_slice %get3A_64 {offsets = [2], sizes = [1], strides = [1]} : vector<16xi32> to vector<1xi32>
      %squeeze3A_116 = vector.extract %slice3A_115[0] : i32 from vector<1xi32>
      %shift_right_arithmetic3A_117 = arith.constant 4 : i32
      %shift_right_arithmetic3A_118 = arith.shrsi %squeeze3A_116, %shift_right_arithmetic3A_117 : i32
      %shift_left3A_119 = arith.constant 4 : i32
      %shift_left3A_120 = arith.shli %shift_right_arithmetic3A_118, %shift_left3A_119 : i32
      %multiple_of3A_121 = tpu.assume_multiple %shift_left3A_120, 16 : i32
      %and3A_122 = arith.constant 15 : i32
      %and3A_123 = arith.andi %squeeze3A_116, %and3A_122 : i32
      %get3A_124 = arith.constant 0 : i32
      %get3A_125 = arith.constant 2 : i32
      %get3A_126 = arith.index_cast %get3A_124 : i32 to index
      %get3A_127 = arith.index_cast %get3A_125 : i32 to index
      %get3A_128 = arith.index_cast %multiple_of3A_121 : i32 to index
      %get3A_129 = tpu.vector_load %arg8[%get3A_126, %get3A_127, %get3A_128] {strides = array<i32>} : memref<2x32x1000xf32, #tpu.memory_space<vmem>>, vector<1x1x16xf32>,
      %get3A_130 = vector.shape_cast %get3A_129 : vector<1x1x16xf32> to vector<16xf32>
      %eq3A_131 = vector.broadcast %and3A_123 : i32 to vector<16xi32>
      %eq3A_132 = arith.cmpi eq, %iota3A, %eq3A_131 : vector<16xi32>
      %jit3A_133 = arith.constant 0.000000e+00 : f32
      %broadcast_in_dim3A_134 = vector.broadcast %jit3A_133 : f32 to vector<16xf32>
      %select_n3A_135 = arith.select %eq3A_132, %get3A_130, %broadcast_in_dim3A_134 : vector<16xi1>, vector<16xf32>
      %slice3A_136 = vector.extract_strided_slice %get3A_71 {offsets = [2], sizes = [1], strides = [1]} : vector<16xf32> to vector<1xf32>
      %squeeze3A_137 = vector.extract %slice3A_136[0] : f32 from vector<1xf32>
      %mul3A_138 = vector.broadcast %squeeze3A_137 : f32 to vector<16xf32>
      %mul3A_139 = arith.mulf %select_n3A_135, %mul3A_138 : vector<16xf32>
      %add3A_140 = arith.addf %add3A_114, %mul3A_139 : vector<16xf32>
      %slice3A_141 = vector.extract_strided_slice %get3A_64 {offsets = [3], sizes = [1], strides = [1]} : vector<16xi32> to vector<1xi32>
      %squeeze3A_142 = vector.extract %slice3A_141[0] : i32 from vector<1xi32>
      %shift_right_arithmetic3A_143 = arith.constant 4 : i32
      %shift_right_arithmetic3A_144 = arith.shrsi %squeeze3A_142, %shift_right_arithmetic3A_143 : i32
      %shift_left3A_145 = arith.constant 4 : i32
      %shift_left3A_146 = arith.shli %shift_right_arithmetic3A_144, %shift_left3A_145 : i32
      %multiple_of3A_147 = tpu.assume_multiple %shift_left3A_146, 16 : i32
      %and3A_148 = arith.constant 15 : i32
      %and3A_149 = arith.andi %squeeze3A_142, %and3A_148 : i32
      %get3A_150 = arith.constant 0 : i32
      %get3A_151 = arith.constant 3 : i32
      %get3A_152 = arith.index_cast %get3A_150 : i32 to index
      %get3A_153 = arith.index_cast %get3A_151 : i32 to index
      %get3A_154 = arith.index_cast %multiple_of3A_147 : i32 to index
      %get3A_155 = tpu.vector_load %arg8[%get3A_152, %get3A_153, %get3A_154] {strides = array<i32>} : memref<2x32x1000xf32, #tpu.memory_space<vmem>>, vector<1x1x16xf32>,
      %get3A_156 = vector.shape_cast %get3A_155 : vector<1x1x16xf32> to vector<16xf32>
      %eq3A_157 = vector.broadcast %and3A_149 : i32 to vector<16xi32>
      %eq3A_158 = arith.cmpi eq, %iota3A, %eq3A_157 : vector<16xi32>
      %jit3A_159 = arith.constant 0.000000e+00 : f32
      %broadcast_in_dim3A_160 = vector.broadcast %jit3A_159 : f32 to vector<16xf32>
      %select_n3A_161 = arith.select %eq3A_158, %get3A_156, %broadcast_in_dim3A_160 : vector<16xi1>, vector<16xf32>
      %slice3A_162 = vector.extract_strided_slice %get3A_71 {offsets = [3], sizes = [1], strides = [1]} : vector<16xf32> to vector<1xf32>
      %squeeze3A_163 = vector.extract %slice3A_162[0] : f32 from vector<1xf32>
      %mul3A_164 = vector.broadcast %squeeze3A_163 : f32 to vector<16xf32>
      %mul3A_165 = arith.mulf %select_n3A_161, %mul3A_164 : vector<16xf32>
      %add3A_166 = arith.addf %add3A_140, %mul3A_165 : vector<16xf32>
      %slice3A_167 = vector.extract_strided_slice %get3A_64 {offsets = [4], sizes = [1], strides = [1]} : vector<16xi32> to vector<1xi32>
      %squeeze3A_168 = vector.extract %slice3A_167[0] : i32 from vector<1xi32>
      %shift_right_arithmetic3A_169 = arith.constant 4 : i32
      %shift_right_arithmetic3A_170 = arith.shrsi %squeeze3A_168, %shift_right_arithmetic3A_169 : i32
      %shift_left3A_171 = arith.constant 4 : i32
      %shift_left3A_172 = arith.shli %shift_right_arithmetic3A_170, %shift_left3A_171 : i32
      %multiple_of3A_173 = tpu.assume_multiple %shift_left3A_172, 16 : i32
      %and3A_174 = arith.constant 15 : i32
      %and3A_175 = arith.andi %squeeze3A_168, %and3A_174 : i32
      %get3A_176 = arith.constant 0 : i32
      %get3A_177 = arith.constant 4 : i32
      %get3A_178 = arith.index_cast %get3A_176 : i32 to index
      %get3A_179 = arith.index_cast %get3A_177 : i32 to index
      %get3A_180 = arith.index_cast %multiple_of3A_173 : i32 to index
      %get3A_181 = tpu.vector_load %arg8[%get3A_178, %get3A_179, %get3A_180] {strides = array<i32>} : memref<2x32x1000xf32, #tpu.memory_space<vmem>>, vector<1x1x16xf32>,
      %get3A_182 = vector.shape_cast %get3A_181 : vector<1x1x16xf32> to vector<16xf32>
      %eq3A_183 = vector.broadcast %and3A_175 : i32 to vector<16xi32>
      %eq3A_184 = arith.cmpi eq, %iota3A, %eq3A_183 : vector<16xi32>
      %jit3A_185 = arith.constant 0.000000e+00 : f32
      %broadcast_in_dim3A_186 = vector.broadcast %jit3A_185 : f32 to vector<16xf32>
      %select_n3A_187 = arith.select %eq3A_184, %get3A_182, %broadcast_in_dim3A_186 : vector<16xi1>, vector<16xf32>
      %slice3A_188 = vector.extract_strided_slice %get3A_71 {offsets = [4], sizes = [1], strides = [1]} : vector<16xf32> to vector<1xf32>
      %squeeze3A_189 = vector.extract %slice3A_188[0] : f32 from vector<1xf32>
      %mul3A_190 = vector.broadcast %squeeze3A_189 : f32 to vector<16xf32>
      %mul3A_191 = arith.mulf %select_n3A_187, %mul3A_190 : vector<16xf32>
      %add3A_192 = arith.addf %add3A_166, %mul3A_191 : vector<16xf32>
      %slice3A_193 = vector.extract_strided_slice %get3A_64 {offsets = [5], sizes = [1], strides = [1]} : vector<16xi32> to vector<1xi32>
      %squeeze3A_194 = vector.extract %slice3A_193[0] : i32 from vector<1xi32>
      %shift_right_arithmetic3A_195 = arith.constant 4 : i32
      %shift_right_arithmetic3A_196 = arith.shrsi %squeeze3A_194, %shift_right_arithmetic3A_195 : i32
      %shift_left3A_197 = arith.constant 4 : i32
      %shift_left3A_198 = arith.shli %shift_right_arithmetic3A_196, %shift_left3A_197 : i32
      %multiple_of3A_199 = tpu.assume_multiple %shift_left3A_198, 16 : i32
      %and3A_200 = arith.constant 15 : i32
      %and3A_201 = arith.andi %squeeze3A_194, %and3A_200 : i32
      %get3A_202 = arith.constant 0 : i32
      %get3A_203 = arith.constant 5 : i32
      %get3A_204 = arith.index_cast %get3A_202 : i32 to index
      %get3A_205 = arith.index_cast %get3A_203 : i32 to index
      %get3A_206 = arith.index_cast %multiple_of3A_199 : i32 to index
      %get3A_207 = tpu.vector_load %arg8[%get3A_204, %get3A_205, %get3A_206] {strides = array<i32>} : memref<2x32x1000xf32, #tpu.memory_space<vmem>>, vector<1x1x16xf32>,
      %get3A_208 = vector.shape_cast %get3A_207 : vector<1x1x16xf32> to vector<16xf32>
      %eq3A_209 = vector.broadcast %and3A_201 : i32 to vector<16xi32>
      %eq3A_210 = arith.cmpi eq, %iota3A, %eq3A_209 : vector<16xi32>
      %jit3A_211 = arith.constant 0.000000e+00 : f32
      %broadcast_in_dim3A_212 = vector.broadcast %jit3A_211 : f32 to vector<16xf32>
      %select_n3A_213 = arith.select %eq3A_210, %get3A_208, %broadcast_in_dim3A_212 : vector<16xi1>, vector<16xf32>
      %slice3A_214 = vector.extract_strided_slice %get3A_71 {offsets = [5], sizes = [1], strides = [1]} : vector<16xf32> to vector<1xf32>
      %squeeze3A_215 = vector.extract %slice3A_214[0] : f32 from vector<1xf32>
      %mul3A_216 = vector.broadcast %squeeze3A_215 : f32 to vector<16xf32>
      %mul3A_217 = arith.mulf %select_n3A_213, %mul3A_216 : vector<16xf32>
      %add3A_218 = arith.addf %add3A_192, %mul3A_217 : vector<16xf32>
      %slice3A_219 = vector.extract_strided_slice %get3A_64 {offsets = [6], sizes = [1], strides = [1]} : vector<16xi32> to vector<1xi32>
      %squeeze3A_220 = vector.extract %slice3A_219[0] : i32 from vector<1xi32>
      %shift_right_arithmetic3A_221 = arith.constant 4 : i32
      %shift_right_arithmetic3A_222 = arith.shrsi %squeeze3A_220, %shift_right_arithmetic3A_221 : i32
      %shift_left3A_223 = arith.constant 4 : i32
      %shift_left3A_224 = arith.shli %shift_right_arithmetic3A_222, %shift_left3A_223 : i32
      %multiple_of3A_225 = tpu.assume_multiple %shift_left3A_224, 16 : i32
      %and3A_226 = arith.constant 15 : i32
      %and3A_227 = arith.andi %squeeze3A_220, %and3A_226 : i32
      %get3A_228 = arith.constant 0 : i32
      %get3A_229 = arith.constant 6 : i32
      %get3A_230 = arith.index_cast %get3A_228 : i32 to index
      %get3A_231 = arith.index_cast %get3A_229 : i32 to index
      %get3A_232 = arith.index_cast %multiple_of3A_225 : i32 to index
      %get3A_233 = tpu.vector_load %arg8[%get3A_230, %get3A_231, %get3A_232] {strides = array<i32>} : memref<2x32x1000xf32, #tpu.memory_space<vmem>>, vector<1x1x16xf32>,
      %get3A_234 = vector.shape_cast %get3A_233 : vector<1x1x16xf32> to vector<16xf32>
      %eq3A_235 = vector.broadcast %and3A_227 : i32 to vector<16xi32>
      %eq3A_236 = arith.cmpi eq, %iota3A, %eq3A_235 : vector<16xi32>
      %jit3A_237 = arith.constant 0.000000e+00 : f32
      %broadcast_in_dim3A_238 = vector.broadcast %jit3A_237 : f32 to vector<16xf32>
      %select_n3A_239 = arith.select %eq3A_236, %get3A_234, %broadcast_in_dim3A_238 : vector<16xi1>, vector<16xf32>
      %slice3A_240 = vector.extract_strided_slice %get3A_71 {offsets = [6], sizes = [1], strides = [1]} : vector<16xf32> to vector<1xf32>
      %squeeze3A_241 = vector.extract %slice3A_240[0] : f32 from vector<1xf32>
      %mul3A_242 = vector.broadcast %squeeze3A_241 : f32 to vector<16xf32>
      %mul3A_243 = arith.mulf %select_n3A_239, %mul3A_242 : vector<16xf32>
      %add3A_244 = arith.addf %add3A_218, %mul3A_243 : vector<16xf32>
      %slice3A_245 = vector.extract_strided_slice %get3A_64 {offsets = [7], sizes = [1], strides = [1]} : vector<16xi32> to vector<1xi32>
      %squeeze3A_246 = vector.extract %slice3A_245[0] : i32 from vector<1xi32>
      %shift_right_arithmetic3A_247 = arith.constant 4 : i32
      %shift_right_arithmetic3A_248 = arith.shrsi %squeeze3A_246, %shift_right_arithmetic3A_247 : i32
      %shift_left3A_249 = arith.constant 4 : i32
      %shift_left3A_250 = arith.shli %shift_right_arithmetic3A_248, %shift_left3A_249 : i32
      %multiple_of3A_251 = tpu.assume_multiple %shift_left3A_250, 16 : i32
      %and3A_252 = arith.constant 15 : i32
      %and3A_253 = arith.andi %squeeze3A_246, %and3A_252 : i32
      %get3A_254 = arith.constant 0 : i32
      %get3A_255 = arith.constant 7 : i32
      %get3A_256 = arith.index_cast %get3A_254 : i32 to index
      %get3A_257 = arith.index_cast %get3A_255 : i32 to index
      %get3A_258 = arith.index_cast %multiple_of3A_251 : i32 to index
      %get3A_259 = tpu.vector_load %arg8[%get3A_256, %get3A_257, %get3A_258] {strides = array<i32>} : memref<2x32x1000xf32, #tpu.memory_space<vmem>>, vector<1x1x16xf32>,
      %get3A_260 = vector.shape_cast %get3A_259 : vector<1x1x16xf32> to vector<16xf32>
      %eq3A_261 = vector.broadcast %and3A_253 : i32 to vector<16xi32>
      %eq3A_262 = arith.cmpi eq, %iota3A, %eq3A_261 : vector<16xi32>
      %jit3A_263 = arith.constant 0.000000e+00 : f32
      %broadcast_in_dim3A_264 = vector.broadcast %jit3A_263 : f32 to vector<16xf32>
      %select_n3A_265 = arith.select %eq3A_262, %get3A_260, %broadcast_in_dim3A_264 : vector<16xi1>, vector<16xf32>
      %slice3A_266 = vector.extract_strided_slice %get3A_71 {offsets = [7], sizes = [1], strides = [1]} : vector<16xf32> to vector<1xf32>
      %squeeze3A_267 = vector.extract %slice3A_266[0] : f32 from vector<1xf32>
      %mul3A_268 = vector.broadcast %squeeze3A_267 : f32 to vector<16xf32>
      %mul3A_269 = arith.mulf %select_n3A_265, %mul3A_268 : vector<16xf32>
      %add3A_270 = arith.addf %add3A_244, %mul3A_269 : vector<16xf32>
      %slice3A_271 = vector.extract_strided_slice %get3A_64 {offsets = [8], sizes = [1], strides = [1]} : vector<16xi32> to vector<1xi32>
      %squeeze3A_272 = vector.extract %slice3A_271[0] : i32 from vector<1xi32>
      %shift_right_arithmetic3A_273 = arith.constant 4 : i32
      %shift_right_arithmetic3A_274 = arith.shrsi %squeeze3A_272, %shift_right_arithmetic3A_273 : i32
      %shift_left3A_275 = arith.constant 4 : i32
      %shift_left3A_276 = arith.shli %shift_right_arithmetic3A_274, %shift_left3A_275 : i32
      %multiple_of3A_277 = tpu.assume_multiple %shift_left3A_276, 16 : i32
      %and3A_278 = arith.constant 15 : i32
      %and3A_279 = arith.andi %squeeze3A_272, %and3A_278 : i32
      %get3A_280 = arith.constant 0 : i32
      %get3A_281 = arith.constant 8 : i32
      %get3A_282 = arith.index_cast %get3A_280 : i32 to index
      %get3A_283 = arith.index_cast %get3A_281 : i32 to index
      %get3A_284 = arith.index_cast %multiple_of3A_277 : i32 to index
      %get3A_285 = tpu.vector_load %arg8[%get3A_282, %get3A_283, %get3A_284] {strides = array<i32>} : memref<2x32x1000xf32, #tpu.memory_space<vmem>>, vector<1x1x16xf32>,
      %get3A_286 = vector.shape_cast %get3A_285 : vector<1x1x16xf32> to vector<16xf32>
      %eq3A_287 = vector.broadcast %and3A_279 : i32 to vector<16xi32>
      %eq3A_288 = arith.cmpi eq, %iota3A, %eq3A_287 : vector<16xi32>
      %jit3A_289 = arith.constant 0.000000e+00 : f32
      %broadcast_in_dim3A_290 = vector.broadcast %jit3A_289 : f32 to vector<16xf32>
      %select_n3A_291 = arith.select %eq3A_288, %get3A_286, %broadcast_in_dim3A_290 : vector<16xi1>, vector<16xf32>
      %slice3A_292 = vector.extract_strided_slice %get3A_71 {offsets = [8], sizes = [1], strides = [1]} : vector<16xf32> to vector<1xf32>
      %squeeze3A_293 = vector.extract %slice3A_292[0] : f32 from vector<1xf32>
      %mul3A_294 = vector.broadcast %squeeze3A_293 : f32 to vector<16xf32>
      %mul3A_295 = arith.mulf %select_n3A_291, %mul3A_294 : vector<16xf32>
      %add3A_296 = arith.addf %add3A_270, %mul3A_295 : vector<16xf32>
      %slice3A_297 = vector.extract_strided_slice %get3A_64 {offsets = [9], sizes = [1], strides = [1]} : vector<16xi32> to vector<1xi32>
      %squeeze3A_298 = vector.extract %slice3A_297[0] : i32 from vector<1xi32>
      %shift_right_arithmetic3A_299 = arith.constant 4 : i32
      %shift_right_arithmetic3A_300 = arith.shrsi %squeeze3A_298, %shift_right_arithmetic3A_299 : i32
      %shift_left3A_301 = arith.constant 4 : i32
      %shift_left3A_302 = arith.shli %shift_right_arithmetic3A_300, %shift_left3A_301 : i32
      %multiple_of3A_303 = tpu.assume_multiple %shift_left3A_302, 16 : i32
      %and3A_304 = arith.constant 15 : i32
      %and3A_305 = arith.andi %squeeze3A_298, %and3A_304 : i32
      %get3A_306 = arith.constant 0 : i32
      %get3A_307 = arith.constant 9 : i32
      %get3A_308 = arith.index_cast %get3A_306 : i32 to index
      %get3A_309 = arith.index_cast %get3A_307 : i32 to index
      %get3A_310 = arith.index_cast %multiple_of3A_303 : i32 to index
      %get3A_311 = tpu.vector_load %arg8[%get3A_308, %get3A_309, %get3A_310] {strides = array<i32>} : memref<2x32x1000xf32, #tpu.memory_space<vmem>>, vector<1x1x16xf32>,
      %get3A_312 = vector.shape_cast %get3A_311 : vector<1x1x16xf32> to vector<16xf32>
      %eq3A_313 = vector.broadcast %and3A_305 : i32 to vector<16xi32>
      %eq3A_314 = arith.cmpi eq, %iota3A, %eq3A_313 : vector<16xi32>
      %jit3A_315 = arith.constant 0.000000e+00 : f32
      %broadcast_in_dim3A_316 = vector.broadcast %jit3A_315 : f32 to vector<16xf32>
      %select_n3A_317 = arith.select %eq3A_314, %get3A_312, %broadcast_in_dim3A_316 : vector<16xi1>, vector<16xf32>
      %slice3A_318 = vector.extract_strided_slice %get3A_71 {offsets = [9], sizes = [1], strides = [1]} : vector<16xf32> to vector<1xf32>
      %squeeze3A_319 = vector.extract %slice3A_318[0] : f32 from vector<1xf32>
      %mul3A_320 = vector.broadcast %squeeze3A_319 : f32 to vector<16xf32>
      %mul3A_321 = arith.mulf %select_n3A_317, %mul3A_320 : vector<16xf32>
      %add3A_322 = arith.addf %add3A_296, %mul3A_321 : vector<16xf32>
      %slice3A_323 = vector.extract_strided_slice %get3A_64 {offsets = [10], sizes = [1], strides = [1]} : vector<16xi32> to vector<1xi32>
      %squeeze3A_324 = vector.extract %slice3A_323[0] : i32 from vector<1xi32>
      %shift_right_arithmetic3A_325 = arith.constant 4 : i32
      %shift_right_arithmetic3A_326 = arith.shrsi %squeeze3A_324, %shift_right_arithmetic3A_325 : i32
      %shift_left3A_327 = arith.constant 4 : i32
      %shift_left3A_328 = arith.shli %shift_right_arithmetic3A_326, %shift_left3A_327 : i32
      %multiple_of3A_329 = tpu.assume_multiple %shift_left3A_328, 16 : i32
      %and3A_330 = arith.constant 15 : i32
      %and3A_331 = arith.andi %squeeze3A_324, %and3A_330 : i32
      %get3A_332 = arith.constant 0 : i32
      %get3A_333 = arith.constant 10 : i32
      %get3A_334 = arith.index_cast %get3A_332 : i32 to index
      %get3A_335 = arith.index_cast %get3A_333 : i32 to index
      %get3A_336 = arith.index_cast %multiple_of3A_329 : i32 to index
      %get3A_337 = tpu.vector_load %arg8[%get3A_334, %get3A_335, %get3A_336] {strides = array<i32>} : memref<2x32x1000xf32, #tpu.memory_space<vmem>>, vector<1x1x16xf32>,
      %get3A_338 = vector.shape_cast %get3A_337 : vector<1x1x16xf32> to vector<16xf32>
      %eq3A_339 = vector.broadcast %and3A_331 : i32 to vector<16xi32>
      %eq3A_340 = arith.cmpi eq, %iota3A, %eq3A_339 : vector<16xi32>
      %jit3A_341 = arith.constant 0.000000e+00 : f32
      %broadcast_in_dim3A_342 = vector.broadcast %jit3A_341 : f32 to vector<16xf32>
      %select_n3A_343 = arith.select %eq3A_340, %get3A_338, %broadcast_in_dim3A_342 : vector<16xi1>, vector<16xf32>
      %slice3A_344 = vector.extract_strided_slice %get3A_71 {offsets = [10], sizes = [1], strides = [1]} : vector<16xf32> to vector<1xf32>
      %squeeze3A_345 = vector.extract %slice3A_344[0] : f32 from vector<1xf32>
      %mul3A_346 = vector.broadcast %squeeze3A_345 : f32 to vector<16xf32>
      %mul3A_347 = arith.mulf %select_n3A_343, %mul3A_346 : vector<16xf32>
      %add3A_348 = arith.addf %add3A_322, %mul3A_347 : vector<16xf32>
      %slice3A_349 = vector.extract_strided_slice %get3A_64 {offsets = [11], sizes = [1], strides = [1]} : vector<16xi32> to vector<1xi32>
      %squeeze3A_350 = vector.extract %slice3A_349[0] : i32 from vector<1xi32>
      %shift_right_arithmetic3A_351 = arith.constant 4 : i32
      %shift_right_arithmetic3A_352 = arith.shrsi %squeeze3A_350, %shift_right_arithmetic3A_351 : i32
      %shift_left3A_353 = arith.constant 4 : i32
      %shift_left3A_354 = arith.shli %shift_right_arithmetic3A_352, %shift_left3A_353 : i32
      %multiple_of3A_355 = tpu.assume_multiple %shift_left3A_354, 16 : i32
      %and3A_356 = arith.constant 15 : i32
      %and3A_357 = arith.andi %squeeze3A_350, %and3A_356 : i32
      %get3A_358 = arith.constant 0 : i32
      %get3A_359 = arith.constant 11 : i32
      %get3A_360 = arith.index_cast %get3A_358 : i32 to index
      %get3A_361 = arith.index_cast %get3A_359 : i32 to index
      %get3A_362 = arith.index_cast %multiple_of3A_355 : i32 to index
      %get3A_363 = tpu.vector_load %arg8[%get3A_360, %get3A_361, %get3A_362] {strides = array<i32>} : memref<2x32x1000xf32, #tpu.memory_space<vmem>>, vector<1x1x16xf32>,
      %get3A_364 = vector.shape_cast %get3A_363 : vector<1x1x16xf32> to vector<16xf32>
      %eq3A_365 = vector.broadcast %and3A_357 : i32 to vector<16xi32>
      %eq3A_366 = arith.cmpi eq, %iota3A, %eq3A_365 : vector<16xi32>
      %jit3A_367 = arith.constant 0.000000e+00 : f32
      %broadcast_in_dim3A_368 = vector.broadcast %jit3A_367 : f32 to vector<16xf32>
      %select_n3A_369 = arith.select %eq3A_366, %get3A_364, %broadcast_in_dim3A_368 : vector<16xi1>, vector<16xf32>
      %slice3A_370 = vector.extract_strided_slice %get3A_71 {offsets = [11], sizes = [1], strides = [1]} : vector<16xf32> to vector<1xf32>
      %squeeze3A_371 = vector.extract %slice3A_370[0] : f32 from vector<1xf32>
      %mul3A_372 = vector.broadcast %squeeze3A_371 : f32 to vector<16xf32>
      %mul3A_373 = arith.mulf %select_n3A_369, %mul3A_372 : vector<16xf32>
      %add3A_374 = arith.addf %add3A_348, %mul3A_373 : vector<16xf32>
      %slice3A_375 = vector.extract_strided_slice %get3A_64 {offsets = [12], sizes = [1], strides = [1]} : vector<16xi32> to vector<1xi32>
      %squeeze3A_376 = vector.extract %slice3A_375[0] : i32 from vector<1xi32>
      %shift_right_arithmetic3A_377 = arith.constant 4 : i32
      %shift_right_arithmetic3A_378 = arith.shrsi %squeeze3A_376, %shift_right_arithmetic3A_377 : i32
      %shift_left3A_379 = arith.constant 4 : i32
      %shift_left3A_380 = arith.shli %shift_right_arithmetic3A_378, %shift_left3A_379 : i32
      %multiple_of3A_381 = tpu.assume_multiple %shift_left3A_380, 16 : i32
      %and3A_382 = arith.constant 15 : i32
      %and3A_383 = arith.andi %squeeze3A_376, %and3A_382 : i32
      %get3A_384 = arith.constant 0 : i32
      %get3A_385 = arith.constant 12 : i32
      %get3A_386 = arith.index_cast %get3A_384 : i32 to index
      %get3A_387 = arith.index_cast %get3A_385 : i32 to index
      %get3A_388 = arith.index_cast %multiple_of3A_381 : i32 to index
      %get3A_389 = tpu.vector_load %arg8[%get3A_386, %get3A_387, %get3A_388] {strides = array<i32>} : memref<2x32x1000xf32, #tpu.memory_space<vmem>>, vector<1x1x16xf32>,
      %get3A_390 = vector.shape_cast %get3A_389 : vector<1x1x16xf32> to vector<16xf32>
      %eq3A_391 = vector.broadcast %and3A_383 : i32 to vector<16xi32>
      %eq3A_392 = arith.cmpi eq, %iota3A, %eq3A_391 : vector<16xi32>
      %jit3A_393 = arith.constant 0.000000e+00 : f32
      %broadcast_in_dim3A_394 = vector.broadcast %jit3A_393 : f32 to vector<16xf32>
      %select_n3A_395 = arith.select %eq3A_392, %get3A_390, %broadcast_in_dim3A_394 : vector<16xi1>, vector<16xf32>
      %slice3A_396 = vector.extract_strided_slice %get3A_71 {offsets = [12], sizes = [1], strides = [1]} : vector<16xf32> to vector<1xf32>
      %squeeze3A_397 = vector.extract %slice3A_396[0] : f32 from vector<1xf32>
      %mul3A_398 = vector.broadcast %squeeze3A_397 : f32 to vector<16xf32>
      %mul3A_399 = arith.mulf %select_n3A_395, %mul3A_398 : vector<16xf32>
      %add3A_400 = arith.addf %add3A_374, %mul3A_399 : vector<16xf32>
      %slice3A_401 = vector.extract_strided_slice %get3A_64 {offsets = [13], sizes = [1], strides = [1]} : vector<16xi32> to vector<1xi32>
      %squeeze3A_402 = vector.extract %slice3A_401[0] : i32 from vector<1xi32>
      %shift_right_arithmetic3A_403 = arith.constant 4 : i32
      %shift_right_arithmetic3A_404 = arith.shrsi %squeeze3A_402, %shift_right_arithmetic3A_403 : i32
      %shift_left3A_405 = arith.constant 4 : i32
      %shift_left3A_406 = arith.shli %shift_right_arithmetic3A_404, %shift_left3A_405 : i32
      %multiple_of3A_407 = tpu.assume_multiple %shift_left3A_406, 16 : i32
      %and3A_408 = arith.constant 15 : i32
      %and3A_409 = arith.andi %squeeze3A_402, %and3A_408 : i32
      %get3A_410 = arith.constant 0 : i32
      %get3A_411 = arith.constant 13 : i32
      %get3A_412 = arith.index_cast %get3A_410 : i32 to index
      %get3A_413 = arith.index_cast %get3A_411 : i32 to index
      %get3A_414 = arith.index_cast %multiple_of3A_407 : i32 to index
      %get3A_415 = tpu.vector_load %arg8[%get3A_412, %get3A_413, %get3A_414] {strides = array<i32>} : memref<2x32x1000xf32, #tpu.memory_space<vmem>>, vector<1x1x16xf32>,
      %get3A_416 = vector.shape_cast %get3A_415 : vector<1x1x16xf32> to vector<16xf32>
      %eq3A_417 = vector.broadcast %and3A_409 : i32 to vector<16xi32>
      %eq3A_418 = arith.cmpi eq, %iota3A, %eq3A_417 : vector<16xi32>
      %jit3A_419 = arith.constant 0.000000e+00 : f32
      %broadcast_in_dim3A_420 = vector.broadcast %jit3A_419 : f32 to vector<16xf32>
      %select_n3A_421 = arith.select %eq3A_418, %get3A_416, %broadcast_in_dim3A_420 : vector<16xi1>, vector<16xf32>
      %slice3A_422 = vector.extract_strided_slice %get3A_71 {offsets = [13], sizes = [1], strides = [1]} : vector<16xf32> to vector<1xf32>
      %squeeze3A_423 = vector.extract %slice3A_422[0] : f32 from vector<1xf32>
      %mul3A_424 = vector.broadcast %squeeze3A_423 : f32 to vector<16xf32>
      %mul3A_425 = arith.mulf %select_n3A_421, %mul3A_424 : vector<16xf32>
      %add3A_426 = arith.addf %add3A_400, %mul3A_425 : vector<16xf32>
      %slice3A_427 = vector.extract_strided_slice %get3A_64 {offsets = [14], sizes = [1], strides = [1]} : vector<16xi32> to vector<1xi32>
      %squeeze3A_428 = vector.extract %slice3A_427[0] : i32 from vector<1xi32>
      %shift_right_arithmetic3A_429 = arith.constant 4 : i32
      %shift_right_arithmetic3A_430 = arith.shrsi %squeeze3A_428, %shift_right_arithmetic3A_429 : i32
      %shift_left3A_431 = arith.constant 4 : i32
      %shift_left3A_432 = arith.shli %shift_right_arithmetic3A_430, %shift_left3A_431 : i32
      %multiple_of3A_433 = tpu.assume_multiple %shift_left3A_432, 16 : i32
      %and3A_434 = arith.constant 15 : i32
      %and3A_435 = arith.andi %squeeze3A_428, %and3A_434 : i32
      %get3A_436 = arith.constant 0 : i32
      %get3A_437 = arith.constant 14 : i32
      %get3A_438 = arith.index_cast %get3A_436 : i32 to index
      %get3A_439 = arith.index_cast %get3A_437 : i32 to index
      %get3A_440 = arith.index_cast %multiple_of3A_433 : i32 to index
      %get3A_441 = tpu.vector_load %arg8[%get3A_438, %get3A_439, %get3A_440] {strides = array<i32>} : memref<2x32x1000xf32, #tpu.memory_space<vmem>>, vector<1x1x16xf32>,
      %get3A_442 = vector.shape_cast %get3A_441 : vector<1x1x16xf32> to vector<16xf32>
      %eq3A_443 = vector.broadcast %and3A_435 : i32 to vector<16xi32>
      %eq3A_444 = arith.cmpi eq, %iota3A, %eq3A_443 : vector<16xi32>
      %jit3A_445 = arith.constant 0.000000e+00 : f32
      %broadcast_in_dim3A_446 = vector.broadcast %jit3A_445 : f32 to vector<16xf32>
      %select_n3A_447 = arith.select %eq3A_444, %get3A_442, %broadcast_in_dim3A_446 : vector<16xi1>, vector<16xf32>
      %slice3A_448 = vector.extract_strided_slice %get3A_71 {offsets = [14], sizes = [1], strides = [1]} : vector<16xf32> to vector<1xf32>
      %squeeze3A_449 = vector.extract %slice3A_448[0] : f32 from vector<1xf32>
      %mul3A_450 = vector.broadcast %squeeze3A_449 : f32 to vector<16xf32>
      %mul3A_451 = arith.mulf %select_n3A_447, %mul3A_450 : vector<16xf32>
      %add3A_452 = arith.addf %add3A_426, %mul3A_451 : vector<16xf32>
      %slice3A_453 = vector.extract_strided_slice %get3A_64 {offsets = [15], sizes = [1], strides = [1]} : vector<16xi32> to vector<1xi32>
      %squeeze3A_454 = vector.extract %slice3A_453[0] : i32 from vector<1xi32>
      %shift_right_arithmetic3A_455 = arith.constant 4 : i32
      %shift_right_arithmetic3A_456 = arith.shrsi %squeeze3A_454, %shift_right_arithmetic3A_455 : i32
      %shift_left3A_457 = arith.constant 4 : i32
      %shift_left3A_458 = arith.shli %shift_right_arithmetic3A_456, %shift_left3A_457 : i32
      %multiple_of3A_459 = tpu.assume_multiple %shift_left3A_458, 16 : i32
      %and3A_460 = arith.constant 15 : i32
      %and3A_461 = arith.andi %squeeze3A_454, %and3A_460 : i32
      %get3A_462 = arith.constant 0 : i32
      %get3A_463 = arith.constant 15 : i32
      %get3A_464 = arith.index_cast %get3A_462 : i32 to index
      %get3A_465 = arith.index_cast %get3A_463 : i32 to index
      %get3A_466 = arith.index_cast %multiple_of3A_459 : i32 to index
      %get3A_467 = tpu.vector_load %arg8[%get3A_464, %get3A_465, %get3A_466] {strides = array<i32>} : memref<2x32x1000xf32, #tpu.memory_space<vmem>>, vector<1x1x16xf32>,
      %get3A_468 = vector.shape_cast %get3A_467 : vector<1x1x16xf32> to vector<16xf32>
      %eq3A_469 = vector.broadcast %and3A_461 : i32 to vector<16xi32>
      %eq3A_470 = arith.cmpi eq, %iota3A, %eq3A_469 : vector<16xi32>
      %jit3A_471 = arith.constant 0.000000e+00 : f32
      %broadcast_in_dim3A_472 = vector.broadcast %jit3A_471 : f32 to vector<16xf32>
      %select_n3A_473 = arith.select %eq3A_470, %get3A_468, %broadcast_in_dim3A_472 : vector<16xi1>, vector<16xf32>
      %slice3A_474 = vector.extract_strided_slice %get3A_71 {offsets = [15], sizes = [1], strides = [1]} : vector<16xf32> to vector<1xf32>
      %squeeze3A_475 = vector.extract %slice3A_474[0] : f32 from vector<1xf32>
      %mul3A_476 = vector.broadcast %squeeze3A_475 : f32 to vector<16xf32>
      %mul3A_477 = arith.mulf %select_n3A_473, %mul3A_476 : vector<16xf32>
      %add3A_478 = arith.addf %add3A_452, %mul3A_477 : vector<16xf32>
      %mul3A_479 = arith.constant 32 : i32
      %mul3A_480 = arith.muli %mul3A_46, %mul3A_479 : i32
      %add3A_481 = arith.constant 16 : i32
      %add3A_482 = arith.addi %mul3A_480, %add3A_481 : i32
      %get3A_483 = arith.index_cast %add3A_482 : i32 to index
      %get3A_484 = tpu.vector_load %arg6[%get3A_483] {strides = array<i32>} : memref<512xi32, #tpu.memory_space<vmem>>, vector<16xi32>,
      %get3A_485 = vector.shape_cast %get3A_484 : vector<16xi32> to vector<16xi32>
      %mul3A_486 = arith.constant 32 : i32
      %mul3A_487 = arith.muli %mul3A_46, %mul3A_486 : i32
      %add3A_488 = arith.constant 16 : i32
      %add3A_489 = arith.addi %mul3A_487, %add3A_488 : i32
      %get3A_490 = arith.index_cast %add3A_489 : i32 to index
      %get3A_491 = tpu.vector_load %arg7[%get3A_490] {strides = array<i32>} : memref<512xf32, #tpu.memory_space<vmem>>, vector<16xf32>,
      %get3A_492 = vector.shape_cast %get3A_491 : vector<16xf32> to vector<16xf32>
      %slice3A_493 = vector.extract_strided_slice %get3A_485 {offsets = [0], sizes = [1], strides = [1]} : vector<16xi32> to vector<1xi32>
      %squeeze3A_494 = vector.extract %slice3A_493[0] : i32 from vector<1xi32>
      %shift_right_arithmetic3A_495 = arith.constant 4 : i32
      %shift_right_arithmetic3A_496 = arith.shrsi %squeeze3A_494, %shift_right_arithmetic3A_495 : i32
      %shift_left3A_497 = arith.constant 4 : i32
      %shift_left3A_498 = arith.shli %shift_right_arithmetic3A_496, %shift_left3A_497 : i32
      %multiple_of3A_499 = tpu.assume_multiple %shift_left3A_498, 16 : i32
      %and3A_500 = arith.constant 15 : i32
      %and3A_501 = arith.andi %squeeze3A_494, %and3A_500 : i32
      %get3A_502 = arith.constant 0 : i32
      %get3A_503 = arith.constant 16 : i32
      %get3A_504 = arith.index_cast %get3A_502 : i32 to index
      %get3A_505 = arith.index_cast %get3A_503 : i32 to index
      %get3A_506 = arith.index_cast %multiple_of3A_499 : i32 to index
      %get3A_507 = tpu.vector_load %arg8[%get3A_504, %get3A_505, %get3A_506] {strides = array<i32>} : memref<2x32x1000xf32, #tpu.memory_space<vmem>>, vector<1x1x16xf32>,
      %get3A_508 = vector.shape_cast %get3A_507 : vector<1x1x16xf32> to vector<16xf32>
      %eq3A_509 = vector.broadcast %and3A_501 : i32 to vector<16xi32>
      %eq3A_510 = arith.cmpi eq, %iota3A, %eq3A_509 : vector<16xi32>
      %jit3A_511 = arith.constant 0.000000e+00 : f32
      %broadcast_in_dim3A_512 = vector.broadcast %jit3A_511 : f32 to vector<16xf32>
      %select_n3A_513 = arith.select %eq3A_510, %get3A_508, %broadcast_in_dim3A_512 : vector<16xi1>, vector<16xf32>
      %slice3A_514 = vector.extract_strided_slice %get3A_492 {offsets = [0], sizes = [1], strides = [1]} : vector<16xf32> to vector<1xf32>
      %squeeze3A_515 = vector.extract %slice3A_514[0] : f32 from vector<1xf32>
      %mul3A_516 = vector.broadcast %squeeze3A_515 : f32 to vector<16xf32>
      %mul3A_517 = arith.mulf %select_n3A_513, %mul3A_516 : vector<16xf32>
      %add3A_518 = arith.addf %add3A_478, %mul3A_517 : vector<16xf32>
      %slice3A_519 = vector.extract_strided_slice %get3A_485 {offsets = [1], sizes = [1], strides = [1]} : vector<16xi32> to vector<1xi32>
      %squeeze3A_520 = vector.extract %slice3A_519[0] : i32 from vector<1xi32>
      %shift_right_arithmetic3A_521 = arith.constant 4 : i32
      %shift_right_arithmetic3A_522 = arith.shrsi %squeeze3A_520, %shift_right_arithmetic3A_521 : i32
      %shift_left3A_523 = arith.constant 4 : i32
      %shift_left3A_524 = arith.shli %shift_right_arithmetic3A_522, %shift_left3A_523 : i32
      %multiple_of3A_525 = tpu.assume_multiple %shift_left3A_524, 16 : i32
      %and3A_526 = arith.constant 15 : i32
      %and3A_527 = arith.andi %squeeze3A_520, %and3A_526 : i32
      %get3A_528 = arith.constant 0 : i32
      %get3A_529 = arith.constant 17 : i32
      %get3A_530 = arith.index_cast %get3A_528 : i32 to index
      %get3A_531 = arith.index_cast %get3A_529 : i32 to index
      %get3A_532 = arith.index_cast %multiple_of3A_525 : i32 to index
      %get3A_533 = tpu.vector_load %arg8[%get3A_530, %get3A_531, %get3A_532] {strides = array<i32>} : memref<2x32x1000xf32, #tpu.memory_space<vmem>>, vector<1x1x16xf32>,
      %get3A_534 = vector.shape_cast %get3A_533 : vector<1x1x16xf32> to vector<16xf32>
      %eq3A_535 = vector.broadcast %and3A_527 : i32 to vector<16xi32>
      %eq3A_536 = arith.cmpi eq, %iota3A, %eq3A_535 : vector<16xi32>
      %jit3A_537 = arith.constant 0.000000e+00 : f32
      %broadcast_in_dim3A_538 = vector.broadcast %jit3A_537 : f32 to vector<16xf32>
      %select_n3A_539 = arith.select %eq3A_536, %get3A_534, %broadcast_in_dim3A_538 : vector<16xi1>, vector<16xf32>
      %slice3A_540 = vector.extract_strided_slice %get3A_492 {offsets = [1], sizes = [1], strides = [1]} : vector<16xf32> to vector<1xf32>
      %squeeze3A_541 = vector.extract %slice3A_540[0] : f32 from vector<1xf32>
      %mul3A_542 = vector.broadcast %squeeze3A_541 : f32 to vector<16xf32>
      %mul3A_543 = arith.mulf %select_n3A_539, %mul3A_542 : vector<16xf32>
      %add3A_544 = arith.addf %add3A_518, %mul3A_543 : vector<16xf32>
      %slice3A_545 = vector.extract_strided_slice %get3A_485 {offsets = [2], sizes = [1], strides = [1]} : vector<16xi32> to vector<1xi32>
      %squeeze3A_546 = vector.extract %slice3A_545[0] : i32 from vector<1xi32>
      %shift_right_arithmetic3A_547 = arith.constant 4 : i32
      %shift_right_arithmetic3A_548 = arith.shrsi %squeeze3A_546, %shift_right_arithmetic3A_547 : i32
      %shift_left3A_549 = arith.constant 4 : i32
      %shift_left3A_550 = arith.shli %shift_right_arithmetic3A_548, %shift_left3A_549 : i32
      %multiple_of3A_551 = tpu.assume_multiple %shift_left3A_550, 16 : i32
      %and3A_552 = arith.constant 15 : i32
      %and3A_553 = arith.andi %squeeze3A_546, %and3A_552 : i32
      %get3A_554 = arith.constant 0 : i32
      %get3A_555 = arith.constant 18 : i32
      %get3A_556 = arith.index_cast %get3A_554 : i32 to index
      %get3A_557 = arith.index_cast %get3A_555 : i32 to index
      %get3A_558 = arith.index_cast %multiple_of3A_551 : i32 to index
      %get3A_559 = tpu.vector_load %arg8[%get3A_556, %get3A_557, %get3A_558] {strides = array<i32>} : memref<2x32x1000xf32, #tpu.memory_space<vmem>>, vector<1x1x16xf32>,
      %get3A_560 = vector.shape_cast %get3A_559 : vector<1x1x16xf32> to vector<16xf32>
      %eq3A_561 = vector.broadcast %and3A_553 : i32 to vector<16xi32>
      %eq3A_562 = arith.cmpi eq, %iota3A, %eq3A_561 : vector<16xi32>
      %jit3A_563 = arith.constant 0.000000e+00 : f32
      %broadcast_in_dim3A_564 = vector.broadcast %jit3A_563 : f32 to vector<16xf32>
      %select_n3A_565 = arith.select %eq3A_562, %get3A_560, %broadcast_in_dim3A_564 : vector<16xi1>, vector<16xf32>
      %slice3A_566 = vector.extract_strided_slice %get3A_492 {offsets = [2], sizes = [1], strides = [1]} : vector<16xf32> to vector<1xf32>
      %squeeze3A_567 = vector.extract %slice3A_566[0] : f32 from vector<1xf32>
      %mul3A_568 = vector.broadcast %squeeze3A_567 : f32 to vector<16xf32>
      %mul3A_569 = arith.mulf %select_n3A_565, %mul3A_568 : vector<16xf32>
      %add3A_570 = arith.addf %add3A_544, %mul3A_569 : vector<16xf32>
      %slice3A_571 = vector.extract_strided_slice %get3A_485 {offsets = [3], sizes = [1], strides = [1]} : vector<16xi32> to vector<1xi32>
      %squeeze3A_572 = vector.extract %slice3A_571[0] : i32 from vector<1xi32>
      %shift_right_arithmetic3A_573 = arith.constant 4 : i32
      %shift_right_arithmetic3A_574 = arith.shrsi %squeeze3A_572, %shift_right_arithmetic3A_573 : i32
      %shift_left3A_575 = arith.constant 4 : i32
      %shift_left3A_576 = arith.shli %shift_right_arithmetic3A_574, %shift_left3A_575 : i32
      %multiple_of3A_577 = tpu.assume_multiple %shift_left3A_576, 16 : i32
      %and3A_578 = arith.constant 15 : i32
      %and3A_579 = arith.andi %squeeze3A_572, %and3A_578 : i32
      %get3A_580 = arith.constant 0 : i32
      %get3A_581 = arith.constant 19 : i32
      %get3A_582 = arith.index_cast %get3A_580 : i32 to index
      %get3A_583 = arith.index_cast %get3A_581 : i32 to index
      %get3A_584 = arith.index_cast %multiple_of3A_577 : i32 to index
      %get3A_585 = tpu.vector_load %arg8[%get3A_582, %get3A_583, %get3A_584] {strides = array<i32>} : memref<2x32x1000xf32, #tpu.memory_space<vmem>>, vector<1x1x16xf32>,
      %get3A_586 = vector.shape_cast %get3A_585 : vector<1x1x16xf32> to vector<16xf32>
      %eq3A_587 = vector.broadcast %and3A_579 : i32 to vector<16xi32>
      %eq3A_588 = arith.cmpi eq, %iota3A, %eq3A_587 : vector<16xi32>
      %jit3A_589 = arith.constant 0.000000e+00 : f32
      %broadcast_in_dim3A_590 = vector.broadcast %jit3A_589 : f32 to vector<16xf32>
      %select_n3A_591 = arith.select %eq3A_588, %get3A_586, %broadcast_in_dim3A_590 : vector<16xi1>, vector<16xf32>
      %slice3A_592 = vector.extract_strided_slice %get3A_492 {offsets = [3], sizes = [1], strides = [1]} : vector<16xf32> to vector<1xf32>
      %squeeze3A_593 = vector.extract %slice3A_592[0] : f32 from vector<1xf32>
      %mul3A_594 = vector.broadcast %squeeze3A_593 : f32 to vector<16xf32>
      %mul3A_595 = arith.mulf %select_n3A_591, %mul3A_594 : vector<16xf32>
      %add3A_596 = arith.addf %add3A_570, %mul3A_595 : vector<16xf32>
      %slice3A_597 = vector.extract_strided_slice %get3A_485 {offsets = [4], sizes = [1], strides = [1]} : vector<16xi32> to vector<1xi32>
      %squeeze3A_598 = vector.extract %slice3A_597[0] : i32 from vector<1xi32>
      %shift_right_arithmetic3A_599 = arith.constant 4 : i32
      %shift_right_arithmetic3A_600 = arith.shrsi %squeeze3A_598, %shift_right_arithmetic3A_599 : i32
      %shift_left3A_601 = arith.constant 4 : i32
      %shift_left3A_602 = arith.shli %shift_right_arithmetic3A_600, %shift_left3A_601 : i32
      %multiple_of3A_603 = tpu.assume_multiple %shift_left3A_602, 16 : i32
      %and3A_604 = arith.constant 15 : i32
      %and3A_605 = arith.andi %squeeze3A_598, %and3A_604 : i32
      %get3A_606 = arith.constant 0 : i32
      %get3A_607 = arith.constant 20 : i32
      %get3A_608 = arith.index_cast %get3A_606 : i32 to index
      %get3A_609 = arith.index_cast %get3A_607 : i32 to index
      %get3A_610 = arith.index_cast %multiple_of3A_603 : i32 to index
      %get3A_611 = tpu.vector_load %arg8[%get3A_608, %get3A_609, %get3A_610] {strides = array<i32>} : memref<2x32x1000xf32, #tpu.memory_space<vmem>>, vector<1x1x16xf32>,
      %get3A_612 = vector.shape_cast %get3A_611 : vector<1x1x16xf32> to vector<16xf32>
      %eq3A_613 = vector.broadcast %and3A_605 : i32 to vector<16xi32>
      %eq3A_614 = arith.cmpi eq, %iota3A, %eq3A_613 : vector<16xi32>
      %jit3A_615 = arith.constant 0.000000e+00 : f32
      %broadcast_in_dim3A_616 = vector.broadcast %jit3A_615 : f32 to vector<16xf32>
      %select_n3A_617 = arith.select %eq3A_614, %get3A_612, %broadcast_in_dim3A_616 : vector<16xi1>, vector<16xf32>
      %slice3A_618 = vector.extract_strided_slice %get3A_492 {offsets = [4], sizes = [1], strides = [1]} : vector<16xf32> to vector<1xf32>
      %squeeze3A_619 = vector.extract %slice3A_618[0] : f32 from vector<1xf32>
      %mul3A_620 = vector.broadcast %squeeze3A_619 : f32 to vector<16xf32>
      %mul3A_621 = arith.mulf %select_n3A_617, %mul3A_620 : vector<16xf32>
      %add3A_622 = arith.addf %add3A_596, %mul3A_621 : vector<16xf32>
      %slice3A_623 = vector.extract_strided_slice %get3A_485 {offsets = [5], sizes = [1], strides = [1]} : vector<16xi32> to vector<1xi32>
      %squeeze3A_624 = vector.extract %slice3A_623[0] : i32 from vector<1xi32>
      %shift_right_arithmetic3A_625 = arith.constant 4 : i32
      %shift_right_arithmetic3A_626 = arith.shrsi %squeeze3A_624, %shift_right_arithmetic3A_625 : i32
      %shift_left3A_627 = arith.constant 4 : i32
      %shift_left3A_628 = arith.shli %shift_right_arithmetic3A_626, %shift_left3A_627 : i32
      %multiple_of3A_629 = tpu.assume_multiple %shift_left3A_628, 16 : i32
      %and3A_630 = arith.constant 15 : i32
      %and3A_631 = arith.andi %squeeze3A_624, %and3A_630 : i32
      %get3A_632 = arith.constant 0 : i32
      %get3A_633 = arith.constant 21 : i32
      %get3A_634 = arith.index_cast %get3A_632 : i32 to index
      %get3A_635 = arith.index_cast %get3A_633 : i32 to index
      %get3A_636 = arith.index_cast %multiple_of3A_629 : i32 to index
      %get3A_637 = tpu.vector_load %arg8[%get3A_634, %get3A_635, %get3A_636] {strides = array<i32>} : memref<2x32x1000xf32, #tpu.memory_space<vmem>>, vector<1x1x16xf32>,
      %get3A_638 = vector.shape_cast %get3A_637 : vector<1x1x16xf32> to vector<16xf32>
      %eq3A_639 = vector.broadcast %and3A_631 : i32 to vector<16xi32>
      %eq3A_640 = arith.cmpi eq, %iota3A, %eq3A_639 : vector<16xi32>
      %jit3A_641 = arith.constant 0.000000e+00 : f32
      %broadcast_in_dim3A_642 = vector.broadcast %jit3A_641 : f32 to vector<16xf32>
      %select_n3A_643 = arith.select %eq3A_640, %get3A_638, %broadcast_in_dim3A_642 : vector<16xi1>, vector<16xf32>
      %slice3A_644 = vector.extract_strided_slice %get3A_492 {offsets = [5], sizes = [1], strides = [1]} : vector<16xf32> to vector<1xf32>
      %squeeze3A_645 = vector.extract %slice3A_644[0] : f32 from vector<1xf32>
      %mul3A_646 = vector.broadcast %squeeze3A_645 : f32 to vector<16xf32>
      %mul3A_647 = arith.mulf %select_n3A_643, %mul3A_646 : vector<16xf32>
      %add3A_648 = arith.addf %add3A_622, %mul3A_647 : vector<16xf32>
      %slice3A_649 = vector.extract_strided_slice %get3A_485 {offsets = [6], sizes = [1], strides = [1]} : vector<16xi32> to vector<1xi32>
      %squeeze3A_650 = vector.extract %slice3A_649[0] : i32 from vector<1xi32>
      %shift_right_arithmetic3A_651 = arith.constant 4 : i32
      %shift_right_arithmetic3A_652 = arith.shrsi %squeeze3A_650, %shift_right_arithmetic3A_651 : i32
      %shift_left3A_653 = arith.constant 4 : i32
      %shift_left3A_654 = arith.shli %shift_right_arithmetic3A_652, %shift_left3A_653 : i32
      %multiple_of3A_655 = tpu.assume_multiple %shift_left3A_654, 16 : i32
      %and3A_656 = arith.constant 15 : i32
      %and3A_657 = arith.andi %squeeze3A_650, %and3A_656 : i32
      %get3A_658 = arith.constant 0 : i32
      %get3A_659 = arith.constant 22 : i32
      %get3A_660 = arith.index_cast %get3A_658 : i32 to index
      %get3A_661 = arith.index_cast %get3A_659 : i32 to index
      %get3A_662 = arith.index_cast %multiple_of3A_655 : i32 to index
      %get3A_663 = tpu.vector_load %arg8[%get3A_660, %get3A_661, %get3A_662] {strides = array<i32>} : memref<2x32x1000xf32, #tpu.memory_space<vmem>>, vector<1x1x16xf32>,
      %get3A_664 = vector.shape_cast %get3A_663 : vector<1x1x16xf32> to vector<16xf32>
      %eq3A_665 = vector.broadcast %and3A_657 : i32 to vector<16xi32>
      %eq3A_666 = arith.cmpi eq, %iota3A, %eq3A_665 : vector<16xi32>
      %jit3A_667 = arith.constant 0.000000e+00 : f32
      %broadcast_in_dim3A_668 = vector.broadcast %jit3A_667 : f32 to vector<16xf32>
      %select_n3A_669 = arith.select %eq3A_666, %get3A_664, %broadcast_in_dim3A_668 : vector<16xi1>, vector<16xf32>
      %slice3A_670 = vector.extract_strided_slice %get3A_492 {offsets = [6], sizes = [1], strides = [1]} : vector<16xf32> to vector<1xf32>
      %squeeze3A_671 = vector.extract %slice3A_670[0] : f32 from vector<1xf32>
      %mul3A_672 = vector.broadcast %squeeze3A_671 : f32 to vector<16xf32>
      %mul3A_673 = arith.mulf %select_n3A_669, %mul3A_672 : vector<16xf32>
      %add3A_674 = arith.addf %add3A_648, %mul3A_673 : vector<16xf32>
      %slice3A_675 = vector.extract_strided_slice %get3A_485 {offsets = [7], sizes = [1], strides = [1]} : vector<16xi32> to vector<1xi32>
      %squeeze3A_676 = vector.extract %slice3A_675[0] : i32 from vector<1xi32>
      %shift_right_arithmetic3A_677 = arith.constant 4 : i32
      %shift_right_arithmetic3A_678 = arith.shrsi %squeeze3A_676, %shift_right_arithmetic3A_677 : i32
      %shift_left3A_679 = arith.constant 4 : i32
      %shift_left3A_680 = arith.shli %shift_right_arithmetic3A_678, %shift_left3A_679 : i32
      %multiple_of3A_681 = tpu.assume_multiple %shift_left3A_680, 16 : i32
      %and3A_682 = arith.constant 15 : i32
      %and3A_683 = arith.andi %squeeze3A_676, %and3A_682 : i32
      %get3A_684 = arith.constant 0 : i32
      %get3A_685 = arith.constant 23 : i32
      %get3A_686 = arith.index_cast %get3A_684 : i32 to index
      %get3A_687 = arith.index_cast %get3A_685 : i32 to index
      %get3A_688 = arith.index_cast %multiple_of3A_681 : i32 to index
      %get3A_689 = tpu.vector_load %arg8[%get3A_686, %get3A_687, %get3A_688] {strides = array<i32>} : memref<2x32x1000xf32, #tpu.memory_space<vmem>>, vector<1x1x16xf32>,
      %get3A_690 = vector.shape_cast %get3A_689 : vector<1x1x16xf32> to vector<16xf32>
      %eq3A_691 = vector.broadcast %and3A_683 : i32 to vector<16xi32>
      %eq3A_692 = arith.cmpi eq, %iota3A, %eq3A_691 : vector<16xi32>
      %jit3A_693 = arith.constant 0.000000e+00 : f32
      %broadcast_in_dim3A_694 = vector.broadcast %jit3A_693 : f32 to vector<16xf32>
      %select_n3A_695 = arith.select %eq3A_692, %get3A_690, %broadcast_in_dim3A_694 : vector<16xi1>, vector<16xf32>
      %slice3A_696 = vector.extract_strided_slice %get3A_492 {offsets = [7], sizes = [1], strides = [1]} : vector<16xf32> to vector<1xf32>
      %squeeze3A_697 = vector.extract %slice3A_696[0] : f32 from vector<1xf32>
      %mul3A_698 = vector.broadcast %squeeze3A_697 : f32 to vector<16xf32>
      %mul3A_699 = arith.mulf %select_n3A_695, %mul3A_698 : vector<16xf32>
      %add3A_700 = arith.addf %add3A_674, %mul3A_699 : vector<16xf32>
      %slice3A_701 = vector.extract_strided_slice %get3A_485 {offsets = [8], sizes = [1], strides = [1]} : vector<16xi32> to vector<1xi32>
      %squeeze3A_702 = vector.extract %slice3A_701[0] : i32 from vector<1xi32>
      %shift_right_arithmetic3A_703 = arith.constant 4 : i32
      %shift_right_arithmetic3A_704 = arith.shrsi %squeeze3A_702, %shift_right_arithmetic3A_703 : i32
      %shift_left3A_705 = arith.constant 4 : i32
      %shift_left3A_706 = arith.shli %shift_right_arithmetic3A_704, %shift_left3A_705 : i32
      %multiple_of3A_707 = tpu.assume_multiple %shift_left3A_706, 16 : i32
      %and3A_708 = arith.constant 15 : i32
      %and3A_709 = arith.andi %squeeze3A_702, %and3A_708 : i32
      %get3A_710 = arith.constant 0 : i32
      %get3A_711 = arith.constant 24 : i32
      %get3A_712 = arith.index_cast %get3A_710 : i32 to index
      %get3A_713 = arith.index_cast %get3A_711 : i32 to index
      %get3A_714 = arith.index_cast %multiple_of3A_707 : i32 to index
      %get3A_715 = tpu.vector_load %arg8[%get3A_712, %get3A_713, %get3A_714] {strides = array<i32>} : memref<2x32x1000xf32, #tpu.memory_space<vmem>>, vector<1x1x16xf32>,
      %get3A_716 = vector.shape_cast %get3A_715 : vector<1x1x16xf32> to vector<16xf32>
      %eq3A_717 = vector.broadcast %and3A_709 : i32 to vector<16xi32>
      %eq3A_718 = arith.cmpi eq, %iota3A, %eq3A_717 : vector<16xi32>
      %jit3A_719 = arith.constant 0.000000e+00 : f32
      %broadcast_in_dim3A_720 = vector.broadcast %jit3A_719 : f32 to vector<16xf32>
      %select_n3A_721 = arith.select %eq3A_718, %get3A_716, %broadcast_in_dim3A_720 : vector<16xi1>, vector<16xf32>
      %slice3A_722 = vector.extract_strided_slice %get3A_492 {offsets = [8], sizes = [1], strides = [1]} : vector<16xf32> to vector<1xf32>
      %squeeze3A_723 = vector.extract %slice3A_722[0] : f32 from vector<1xf32>
      %mul3A_724 = vector.broadcast %squeeze3A_723 : f32 to vector<16xf32>
      %mul3A_725 = arith.mulf %select_n3A_721, %mul3A_724 : vector<16xf32>
      %add3A_726 = arith.addf %add3A_700, %mul3A_725 : vector<16xf32>
      %slice3A_727 = vector.extract_strided_slice %get3A_485 {offsets = [9], sizes = [1], strides = [1]} : vector<16xi32> to vector<1xi32>
      %squeeze3A_728 = vector.extract %slice3A_727[0] : i32 from vector<1xi32>
      %shift_right_arithmetic3A_729 = arith.constant 4 : i32
      %shift_right_arithmetic3A_730 = arith.shrsi %squeeze3A_728, %shift_right_arithmetic3A_729 : i32
      %shift_left3A_731 = arith.constant 4 : i32
      %shift_left3A_732 = arith.shli %shift_right_arithmetic3A_730, %shift_left3A_731 : i32
      %multiple_of3A_733 = tpu.assume_multiple %shift_left3A_732, 16 : i32
      %and3A_734 = arith.constant 15 : i32
      %and3A_735 = arith.andi %squeeze3A_728, %and3A_734 : i32
      %get3A_736 = arith.constant 0 : i32
      %get3A_737 = arith.constant 25 : i32
      %get3A_738 = arith.index_cast %get3A_736 : i32 to index
      %get3A_739 = arith.index_cast %get3A_737 : i32 to index
      %get3A_740 = arith.index_cast %multiple_of3A_733 : i32 to index
      %get3A_741 = tpu.vector_load %arg8[%get3A_738, %get3A_739, %get3A_740] {strides = array<i32>} : memref<2x32x1000xf32, #tpu.memory_space<vmem>>, vector<1x1x16xf32>,
      %get3A_742 = vector.shape_cast %get3A_741 : vector<1x1x16xf32> to vector<16xf32>
      %eq3A_743 = vector.broadcast %and3A_735 : i32 to vector<16xi32>
      %eq3A_744 = arith.cmpi eq, %iota3A, %eq3A_743 : vector<16xi32>
      %jit3A_745 = arith.constant 0.000000e+00 : f32
      %broadcast_in_dim3A_746 = vector.broadcast %jit3A_745 : f32 to vector<16xf32>
      %select_n3A_747 = arith.select %eq3A_744, %get3A_742, %broadcast_in_dim3A_746 : vector<16xi1>, vector<16xf32>
      %slice3A_748 = vector.extract_strided_slice %get3A_492 {offsets = [9], sizes = [1], strides = [1]} : vector<16xf32> to vector<1xf32>
      %squeeze3A_749 = vector.extract %slice3A_748[0] : f32 from vector<1xf32>
      %mul3A_750 = vector.broadcast %squeeze3A_749 : f32 to vector<16xf32>
      %mul3A_751 = arith.mulf %select_n3A_747, %mul3A_750 : vector<16xf32>
      %add3A_752 = arith.addf %add3A_726, %mul3A_751 : vector<16xf32>
      %slice3A_753 = vector.extract_strided_slice %get3A_485 {offsets = [10], sizes = [1], strides = [1]} : vector<16xi32> to vector<1xi32>
      %squeeze3A_754 = vector.extract %slice3A_753[0] : i32 from vector<1xi32>
      %shift_right_arithmetic3A_755 = arith.constant 4 : i32
      %shift_right_arithmetic3A_756 = arith.shrsi %squeeze3A_754, %shift_right_arithmetic3A_755 : i32
      %shift_left3A_757 = arith.constant 4 : i32
      %shift_left3A_758 = arith.shli %shift_right_arithmetic3A_756, %shift_left3A_757 : i32
      %multiple_of3A_759 = tpu.assume_multiple %shift_left3A_758, 16 : i32
      %and3A_760 = arith.constant 15 : i32
      %and3A_761 = arith.andi %squeeze3A_754, %and3A_760 : i32
      %get3A_762 = arith.constant 0 : i32
      %get3A_763 = arith.constant 26 : i32
      %get3A_764 = arith.index_cast %get3A_762 : i32 to index
      %get3A_765 = arith.index_cast %get3A_763 : i32 to index
      %get3A_766 = arith.index_cast %multiple_of3A_759 : i32 to index
      %get3A_767 = tpu.vector_load %arg8[%get3A_764, %get3A_765, %get3A_766] {strides = array<i32>} : memref<2x32x1000xf32, #tpu.memory_space<vmem>>, vector<1x1x16xf32>,
      %get3A_768 = vector.shape_cast %get3A_767 : vector<1x1x16xf32> to vector<16xf32>
      %eq3A_769 = vector.broadcast %and3A_761 : i32 to vector<16xi32>
      %eq3A_770 = arith.cmpi eq, %iota3A, %eq3A_769 : vector<16xi32>
      %jit3A_771 = arith.constant 0.000000e+00 : f32
      %broadcast_in_dim3A_772 = vector.broadcast %jit3A_771 : f32 to vector<16xf32>
      %select_n3A_773 = arith.select %eq3A_770, %get3A_768, %broadcast_in_dim3A_772 : vector<16xi1>, vector<16xf32>
      %slice3A_774 = vector.extract_strided_slice %get3A_492 {offsets = [10], sizes = [1], strides = [1]} : vector<16xf32> to vector<1xf32>
      %squeeze3A_775 = vector.extract %slice3A_774[0] : f32 from vector<1xf32>
      %mul3A_776 = vector.broadcast %squeeze3A_775 : f32 to vector<16xf32>
      %mul3A_777 = arith.mulf %select_n3A_773, %mul3A_776 : vector<16xf32>
      %add3A_778 = arith.addf %add3A_752, %mul3A_777 : vector<16xf32>
      %slice3A_779 = vector.extract_strided_slice %get3A_485 {offsets = [11], sizes = [1], strides = [1]} : vector<16xi32> to vector<1xi32>
      %squeeze3A_780 = vector.extract %slice3A_779[0] : i32 from vector<1xi32>
      %shift_right_arithmetic3A_781 = arith.constant 4 : i32
      %shift_right_arithmetic3A_782 = arith.shrsi %squeeze3A_780, %shift_right_arithmetic3A_781 : i32
      %shift_left3A_783 = arith.constant 4 : i32
      %shift_left3A_784 = arith.shli %shift_right_arithmetic3A_782, %shift_left3A_783 : i32
      %multiple_of3A_785 = tpu.assume_multiple %shift_left3A_784, 16 : i32
      %and3A_786 = arith.constant 15 : i32
      %and3A_787 = arith.andi %squeeze3A_780, %and3A_786 : i32
      %get3A_788 = arith.constant 0 : i32
      %get3A_789 = arith.constant 27 : i32
      %get3A_790 = arith.index_cast %get3A_788 : i32 to index
      %get3A_791 = arith.index_cast %get3A_789 : i32 to index
      %get3A_792 = arith.index_cast %multiple_of3A_785 : i32 to index
      %get3A_793 = tpu.vector_load %arg8[%get3A_790, %get3A_791, %get3A_792] {strides = array<i32>} : memref<2x32x1000xf32, #tpu.memory_space<vmem>>, vector<1x1x16xf32>,
      %get3A_794 = vector.shape_cast %get3A_793 : vector<1x1x16xf32> to vector<16xf32>
      %eq3A_795 = vector.broadcast %and3A_787 : i32 to vector<16xi32>
      %eq3A_796 = arith.cmpi eq, %iota3A, %eq3A_795 : vector<16xi32>
      %jit3A_797 = arith.constant 0.000000e+00 : f32
      %broadcast_in_dim3A_798 = vector.broadcast %jit3A_797 : f32 to vector<16xf32>
      %select_n3A_799 = arith.select %eq3A_796, %get3A_794, %broadcast_in_dim3A_798 : vector<16xi1>, vector<16xf32>
      %slice3A_800 = vector.extract_strided_slice %get3A_492 {offsets = [11], sizes = [1], strides = [1]} : vector<16xf32> to vector<1xf32>
      %squeeze3A_801 = vector.extract %slice3A_800[0] : f32 from vector<1xf32>
      %mul3A_802 = vector.broadcast %squeeze3A_801 : f32 to vector<16xf32>
      %mul3A_803 = arith.mulf %select_n3A_799, %mul3A_802 : vector<16xf32>
      %add3A_804 = arith.addf %add3A_778, %mul3A_803 : vector<16xf32>
      %slice3A_805 = vector.extract_strided_slice %get3A_485 {offsets = [12], sizes = [1], strides = [1]} : vector<16xi32> to vector<1xi32>
      %squeeze3A_806 = vector.extract %slice3A_805[0] : i32 from vector<1xi32>
      %shift_right_arithmetic3A_807 = arith.constant 4 : i32
      %shift_right_arithmetic3A_808 = arith.shrsi %squeeze3A_806, %shift_right_arithmetic3A_807 : i32
      %shift_left3A_809 = arith.constant 4 : i32
      %shift_left3A_810 = arith.shli %shift_right_arithmetic3A_808, %shift_left3A_809 : i32
      %multiple_of3A_811 = tpu.assume_multiple %shift_left3A_810, 16 : i32
      %and3A_812 = arith.constant 15 : i32
      %and3A_813 = arith.andi %squeeze3A_806, %and3A_812 : i32
      %get3A_814 = arith.constant 0 : i32
      %get3A_815 = arith.constant 28 : i32
      %get3A_816 = arith.index_cast %get3A_814 : i32 to index
      %get3A_817 = arith.index_cast %get3A_815 : i32 to index
      %get3A_818 = arith.index_cast %multiple_of3A_811 : i32 to index
      %get3A_819 = tpu.vector_load %arg8[%get3A_816, %get3A_817, %get3A_818] {strides = array<i32>} : memref<2x32x1000xf32, #tpu.memory_space<vmem>>, vector<1x1x16xf32>,
      %get3A_820 = vector.shape_cast %get3A_819 : vector<1x1x16xf32> to vector<16xf32>
      %eq3A_821 = vector.broadcast %and3A_813 : i32 to vector<16xi32>
      %eq3A_822 = arith.cmpi eq, %iota3A, %eq3A_821 : vector<16xi32>
      %jit3A_823 = arith.constant 0.000000e+00 : f32
      %broadcast_in_dim3A_824 = vector.broadcast %jit3A_823 : f32 to vector<16xf32>
      %select_n3A_825 = arith.select %eq3A_822, %get3A_820, %broadcast_in_dim3A_824 : vector<16xi1>, vector<16xf32>
      %slice3A_826 = vector.extract_strided_slice %get3A_492 {offsets = [12], sizes = [1], strides = [1]} : vector<16xf32> to vector<1xf32>
      %squeeze3A_827 = vector.extract %slice3A_826[0] : f32 from vector<1xf32>
      %mul3A_828 = vector.broadcast %squeeze3A_827 : f32 to vector<16xf32>
      %mul3A_829 = arith.mulf %select_n3A_825, %mul3A_828 : vector<16xf32>
      %add3A_830 = arith.addf %add3A_804, %mul3A_829 : vector<16xf32>
      %slice3A_831 = vector.extract_strided_slice %get3A_485 {offsets = [13], sizes = [1], strides = [1]} : vector<16xi32> to vector<1xi32>
      %squeeze3A_832 = vector.extract %slice3A_831[0] : i32 from vector<1xi32>
      %shift_right_arithmetic3A_833 = arith.constant 4 : i32
      %shift_right_arithmetic3A_834 = arith.shrsi %squeeze3A_832, %shift_right_arithmetic3A_833 : i32
      %shift_left3A_835 = arith.constant 4 : i32
      %shift_left3A_836 = arith.shli %shift_right_arithmetic3A_834, %shift_left3A_835 : i32
      %multiple_of3A_837 = tpu.assume_multiple %shift_left3A_836, 16 : i32
      %and3A_838 = arith.constant 15 : i32
      %and3A_839 = arith.andi %squeeze3A_832, %and3A_838 : i32
      %get3A_840 = arith.constant 0 : i32
      %get3A_841 = arith.constant 29 : i32
      %get3A_842 = arith.index_cast %get3A_840 : i32 to index
      %get3A_843 = arith.index_cast %get3A_841 : i32 to index
      %get3A_844 = arith.index_cast %multiple_of3A_837 : i32 to index
      %get3A_845 = tpu.vector_load %arg8[%get3A_842, %get3A_843, %get3A_844] {strides = array<i32>} : memref<2x32x1000xf32, #tpu.memory_space<vmem>>, vector<1x1x16xf32>,
      %get3A_846 = vector.shape_cast %get3A_845 : vector<1x1x16xf32> to vector<16xf32>
      %eq3A_847 = vector.broadcast %and3A_839 : i32 to vector<16xi32>
      %eq3A_848 = arith.cmpi eq, %iota3A, %eq3A_847 : vector<16xi32>
      %jit3A_849 = arith.constant 0.000000e+00 : f32
      %broadcast_in_dim3A_850 = vector.broadcast %jit3A_849 : f32 to vector<16xf32>
      %select_n3A_851 = arith.select %eq3A_848, %get3A_846, %broadcast_in_dim3A_850 : vector<16xi1>, vector<16xf32>
      %slice3A_852 = vector.extract_strided_slice %get3A_492 {offsets = [13], sizes = [1], strides = [1]} : vector<16xf32> to vector<1xf32>
      %squeeze3A_853 = vector.extract %slice3A_852[0] : f32 from vector<1xf32>
      %mul3A_854 = vector.broadcast %squeeze3A_853 : f32 to vector<16xf32>
      %mul3A_855 = arith.mulf %select_n3A_851, %mul3A_854 : vector<16xf32>
      %add3A_856 = arith.addf %add3A_830, %mul3A_855 : vector<16xf32>
      %slice3A_857 = vector.extract_strided_slice %get3A_485 {offsets = [14], sizes = [1], strides = [1]} : vector<16xi32> to vector<1xi32>
      %squeeze3A_858 = vector.extract %slice3A_857[0] : i32 from vector<1xi32>
      %shift_right_arithmetic3A_859 = arith.constant 4 : i32
      %shift_right_arithmetic3A_860 = arith.shrsi %squeeze3A_858, %shift_right_arithmetic3A_859 : i32
      %shift_left3A_861 = arith.constant 4 : i32
      %shift_left3A_862 = arith.shli %shift_right_arithmetic3A_860, %shift_left3A_861 : i32
      %multiple_of3A_863 = tpu.assume_multiple %shift_left3A_862, 16 : i32
      %and3A_864 = arith.constant 15 : i32
      %and3A_865 = arith.andi %squeeze3A_858, %and3A_864 : i32
      %get3A_866 = arith.constant 0 : i32
      %get3A_867 = arith.constant 30 : i32
      %get3A_868 = arith.index_cast %get3A_866 : i32 to index
      %get3A_869 = arith.index_cast %get3A_867 : i32 to index
      %get3A_870 = arith.index_cast %multiple_of3A_863 : i32 to index
      %get3A_871 = tpu.vector_load %arg8[%get3A_868, %get3A_869, %get3A_870] {strides = array<i32>} : memref<2x32x1000xf32, #tpu.memory_space<vmem>>, vector<1x1x16xf32>,
      %get3A_872 = vector.shape_cast %get3A_871 : vector<1x1x16xf32> to vector<16xf32>
      %eq3A_873 = vector.broadcast %and3A_865 : i32 to vector<16xi32>
      %eq3A_874 = arith.cmpi eq, %iota3A, %eq3A_873 : vector<16xi32>
      %jit3A_875 = arith.constant 0.000000e+00 : f32
      %broadcast_in_dim3A_876 = vector.broadcast %jit3A_875 : f32 to vector<16xf32>
      %select_n3A_877 = arith.select %eq3A_874, %get3A_872, %broadcast_in_dim3A_876 : vector<16xi1>, vector<16xf32>
      %slice3A_878 = vector.extract_strided_slice %get3A_492 {offsets = [14], sizes = [1], strides = [1]} : vector<16xf32> to vector<1xf32>
      %squeeze3A_879 = vector.extract %slice3A_878[0] : f32 from vector<1xf32>
      %mul3A_880 = vector.broadcast %squeeze3A_879 : f32 to vector<16xf32>
      %mul3A_881 = arith.mulf %select_n3A_877, %mul3A_880 : vector<16xf32>
      %add3A_882 = arith.addf %add3A_856, %mul3A_881 : vector<16xf32>
      %slice3A_883 = vector.extract_strided_slice %get3A_485 {offsets = [15], sizes = [1], strides = [1]} : vector<16xi32> to vector<1xi32>
      %squeeze3A_884 = vector.extract %slice3A_883[0] : i32 from vector<1xi32>
      %shift_right_arithmetic3A_885 = arith.constant 4 : i32
      %shift_right_arithmetic3A_886 = arith.shrsi %squeeze3A_884, %shift_right_arithmetic3A_885 : i32
      %shift_left3A_887 = arith.constant 4 : i32
      %shift_left3A_888 = arith.shli %shift_right_arithmetic3A_886, %shift_left3A_887 : i32
      %multiple_of3A_889 = tpu.assume_multiple %shift_left3A_888, 16 : i32
      %and3A_890 = arith.constant 15 : i32
      %and3A_891 = arith.andi %squeeze3A_884, %and3A_890 : i32
      %get3A_892 = arith.constant 0 : i32
      %get3A_893 = arith.constant 31 : i32
      %get3A_894 = arith.index_cast %get3A_892 : i32 to index
      %get3A_895 = arith.index_cast %get3A_893 : i32 to index
      %get3A_896 = arith.index_cast %multiple_of3A_889 : i32 to index
      %get3A_897 = tpu.vector_load %arg8[%get3A_894, %get3A_895, %get3A_896] {strides = array<i32>} : memref<2x32x1000xf32, #tpu.memory_space<vmem>>, vector<1x1x16xf32>,
      %get3A_898 = vector.shape_cast %get3A_897 : vector<1x1x16xf32> to vector<16xf32>
      %eq3A_899 = vector.broadcast %and3A_891 : i32 to vector<16xi32>
      %eq3A_900 = arith.cmpi eq, %iota3A, %eq3A_899 : vector<16xi32>
      %jit3A_901 = arith.constant 0.000000e+00 : f32
      %broadcast_in_dim3A_902 = vector.broadcast %jit3A_901 : f32 to vector<16xf32>
      %select_n3A_903 = arith.select %eq3A_900, %get3A_898, %broadcast_in_dim3A_902 : vector<16xi1>, vector<16xf32>
      %slice3A_904 = vector.extract_strided_slice %get3A_492 {offsets = [15], sizes = [1], strides = [1]} : vector<16xf32> to vector<1xf32>
      %squeeze3A_905 = vector.extract %slice3A_904[0] : f32 from vector<1xf32>
      %mul3A_906 = vector.broadcast %squeeze3A_905 : f32 to vector<16xf32>
      %mul3A_907 = arith.mulf %select_n3A_903, %mul3A_906 : vector<16xf32>
      %add3A_908 = arith.addf %add3A_882, %mul3A_907 : vector<16xf32>
      %add3A_909 = arith.constant 2 : i32
      %add3A_910 = arith.addi %mul3A_46, %add3A_909 : i32
      %lt3A = arith.constant 16 : i32
      %lt3A_911 = arith.cmpi slt, %add3A_910, %lt3A : i32
      %convert_element_type3A = arith.extui %lt3A_911 : i1 to i32
      %cond3A = arith.constant 0 : i32
      %cond3A_912 = arith.cmpi ne, %convert_element_type3A, %cond3A : i32
      scf.if %cond3A_912 {
        %add3A_1795 = arith.constant 2 : i32
        %add3A_1796 = arith.addi %mul3A_46, %add3A_1795 : i32
        %mul3A_1797 = arith.constant 32 : i32
        %mul3A_1798 = arith.muli %add3A_1796, %mul3A_1797 : i32
        %add3A_1799 = arith.addi %mul3A_2, %mul3A_1798 : i32
        %dma_start3A_1800 = arith.constant 0 : i32
        %dma_start3A_1801 = arith.constant 0 : i32
        %dma_start3A_1802 = arith.constant 0 : i32
        %dma_start3A_1803 = tpu.memref_slice %arg8[%dma_start3A_1800, %dma_start3A_1801, %dma_start3A_1802] : memref<2x32x1000xf32, #tpu.memory_space<vmem>> -> memref<1x32x1000xf32, #tpu.memory_space<vmem>>
        %dma_start3A_1804 = tpu.memref_squeeze %dma_start3A_1803 : memref<1x32x1000xf32, #tpu.memory_space<vmem>> -> memref<32x1000xf32, #tpu.memory_space<vmem>>
        %dma_start3A_1805 = arith.constant 0 : i32
        %dma_start3A_1806 = tpu.memref_slice %arg2[%add3A_1799, %dma_start3A_1805] : memref<16384x1000xf32, #tpu.memory_space<hbm>> -> memref<32x1000xf32, #tpu.memory_space<hbm>>
        %dma_start3A_1807 = arith.constant 0 : i32
        %dma_start3A_1808 = arith.constant 0 : i32
        %dma_start3A_1809 = tpu.memref_slice %arg8[%dma_start3A_1800, %dma_start3A_1807, %dma_start3A_1808] : memref<2x32x1000xf32, #tpu.memory_space<vmem>> -> memref<1x32x1000xf32, #tpu.memory_space<vmem>>
        %dma_start3A_1810 = tpu.memref_squeeze %dma_start3A_1809 : memref<1x32x1000xf32, #tpu.memory_space<vmem>> -> memref<32x1000xf32, #tpu.memory_space<vmem>>
        %dma_start3A_1811 = arith.constant 0 : i32
        %dma_start3A_1812 = tpu.memref_slice %arg2[%add3A_1799, %dma_start3A_1811] : memref<16384x1000xf32, #tpu.memory_space<hbm>> -> memref<32x1000xf32, #tpu.memory_space<hbm>>
        tpu.enqueue_dma source(%dma_start3A_1812 : memref<32x1000xf32, #tpu.memory_space<hbm>>) target(%dma_start3A_1810 : memref<32x1000xf32, #tpu.memory_space<vmem>>) target_semaphore(%arg10 : memref<!tpu.dma_semaphore, #tpu.memory_space<semaphore_mem>>)
      } else {
      }
      %dma_wait3A_913 = arith.constant 1 : i32
      %dma_wait3A_914 = arith.constant 0 : i32
      %dma_wait3A_915 = arith.constant 0 : i32
      %dma_wait3A_916 = tpu.memref_slice %arg8[%dma_wait3A_913, %dma_wait3A_914, %dma_wait3A_915] : memref<2x32x1000xf32, #tpu.memory_space<vmem>> -> memref<1x32x1000xf32, #tpu.memory_space<vmem>>
      %dma_wait3A_917 = tpu.memref_squeeze %dma_wait3A_916 : memref<1x32x1000xf32, #tpu.memory_space<vmem>> -> memref<32x1000xf32, #tpu.memory_space<vmem>>
      %dma_wait3A_918 = arith.constant 0 : i32
      %dma_wait3A_919 = tpu.memref_slice %arg2[%mul3A_2, %dma_wait3A_918] : memref<16384x1000xf32, #tpu.memory_space<hbm>> -> memref<32x1000xf32, #tpu.memory_space<hbm>>
      %dma_wait3A_920 = arith.constant 0 : i32
      %dma_wait3A_921 = arith.constant 0 : i32
      %dma_wait3A_922 = tpu.memref_slice %arg8[%dma_wait3A_913, %dma_wait3A_920, %dma_wait3A_921] : memref<2x32x1000xf32, #tpu.memory_space<vmem>> -> memref<1x32x1000xf32, #tpu.memory_space<vmem>>
      %dma_wait3A_923 = tpu.memref_squeeze %dma_wait3A_922 : memref<1x32x1000xf32, #tpu.memory_space<vmem>> -> memref<32x1000xf32, #tpu.memory_space<vmem>>
      %dma_wait3A_924 = arith.constant 0 : i32
      %dma_wait3A_925 = tpu.memref_slice %arg2[%mul3A_2, %dma_wait3A_924] : memref<16384x1000xf32, #tpu.memory_space<hbm>> -> memref<32x1000xf32, #tpu.memory_space<hbm>>
      tpu.wait_dma2 semaphore(%arg11 : memref<!tpu.dma_semaphore, #tpu.memory_space<semaphore_mem>>) src(%dma_wait3A_925 : memref<32x1000xf32, #tpu.memory_space<hbm>>) dst(%dma_wait3A_923 : memref<32x1000xf32, #tpu.memory_space<vmem>>)
      %add3A_926 = arith.constant 1 : i32
      %add3A_927 = arith.addi %mul3A_46, %add3A_926 : i32
      %mul3A_928 = arith.constant 32 : i32
      %mul3A_929 = arith.muli %add3A_927, %mul3A_928 : i32
      %add3A_930 = arith.constant 0 : i32
      %add3A_931 = arith.addi %mul3A_929, %add3A_930 : i32
      %get3A_932 = arith.index_cast %add3A_931 : i32 to index
      %get3A_933 = tpu.vector_load %arg6[%get3A_932] {strides = array<i32>} : memref<512xi32, #tpu.memory_space<vmem>>, vector<16xi32>,
      %get3A_934 = vector.shape_cast %get3A_933 : vector<16xi32> to vector<16xi32>
      %mul3A_935 = arith.constant 32 : i32
      %mul3A_936 = arith.muli %add3A_927, %mul3A_935 : i32
      %add3A_937 = arith.constant 0 : i32
      %add3A_938 = arith.addi %mul3A_936, %add3A_937 : i32
      %get3A_939 = arith.index_cast %add3A_938 : i32 to index
      %get3A_940 = tpu.vector_load %arg7[%get3A_939] {strides = array<i32>} : memref<512xf32, #tpu.memory_space<vmem>>, vector<16xf32>,
      %get3A_941 = vector.shape_cast %get3A_940 : vector<16xf32> to vector<16xf32>
      %slice3A_942 = vector.extract_strided_slice %get3A_934 {offsets = [0], sizes = [1], strides = [1]} : vector<16xi32> to vector<1xi32>
      %squeeze3A_943 = vector.extract %slice3A_942[0] : i32 from vector<1xi32>
      %shift_right_arithmetic3A_944 = arith.constant 4 : i32
      %shift_right_arithmetic3A_945 = arith.shrsi %squeeze3A_943, %shift_right_arithmetic3A_944 : i32
      %shift_left3A_946 = arith.constant 4 : i32
      %shift_left3A_947 = arith.shli %shift_right_arithmetic3A_945, %shift_left3A_946 : i32
      %multiple_of3A_948 = tpu.assume_multiple %shift_left3A_947, 16 : i32
      %and3A_949 = arith.constant 15 : i32
      %and3A_950 = arith.andi %squeeze3A_943, %and3A_949 : i32
      %get3A_951 = arith.constant 1 : i32
      %get3A_952 = arith.constant 0 : i32
      %get3A_953 = arith.index_cast %get3A_951 : i32 to index
      %get3A_954 = arith.index_cast %get3A_952 : i32 to index
      %get3A_955 = arith.index_cast %multiple_of3A_948 : i32 to index
      %get3A_956 = tpu.vector_load %arg8[%get3A_953, %get3A_954, %get3A_955] {strides = array<i32>} : memref<2x32x1000xf32, #tpu.memory_space<vmem>>, vector<1x1x16xf32>,
      %get3A_957 = vector.shape_cast %get3A_956 : vector<1x1x16xf32> to vector<16xf32>
      %eq3A_958 = vector.broadcast %and3A_950 : i32 to vector<16xi32>
      %eq3A_959 = arith.cmpi eq, %iota3A, %eq3A_958 : vector<16xi32>
      %jit3A_960 = arith.constant 0.000000e+00 : f32
      %broadcast_in_dim3A_961 = vector.broadcast %jit3A_960 : f32 to vector<16xf32>
      %select_n3A_962 = arith.select %eq3A_959, %get3A_957, %broadcast_in_dim3A_961 : vector<16xi1>, vector<16xf32>
      %slice3A_963 = vector.extract_strided_slice %get3A_941 {offsets = [0], sizes = [1], strides = [1]} : vector<16xf32> to vector<1xf32>
      %squeeze3A_964 = vector.extract %slice3A_963[0] : f32 from vector<1xf32>
      %mul3A_965 = vector.broadcast %squeeze3A_964 : f32 to vector<16xf32>
      %mul3A_966 = arith.mulf %select_n3A_962, %mul3A_965 : vector<16xf32>
      %add3A_967 = arith.addf %add3A_908, %mul3A_966 : vector<16xf32>
      %slice3A_968 = vector.extract_strided_slice %get3A_934 {offsets = [1], sizes = [1], strides = [1]} : vector<16xi32> to vector<1xi32>
      %squeeze3A_969 = vector.extract %slice3A_968[0] : i32 from vector<1xi32>
      %shift_right_arithmetic3A_970 = arith.constant 4 : i32
      %shift_right_arithmetic3A_971 = arith.shrsi %squeeze3A_969, %shift_right_arithmetic3A_970 : i32
      %shift_left3A_972 = arith.constant 4 : i32
      %shift_left3A_973 = arith.shli %shift_right_arithmetic3A_971, %shift_left3A_972 : i32
      %multiple_of3A_974 = tpu.assume_multiple %shift_left3A_973, 16 : i32
      %and3A_975 = arith.constant 15 : i32
      %and3A_976 = arith.andi %squeeze3A_969, %and3A_975 : i32
      %get3A_977 = arith.constant 1 : i32
      %get3A_978 = arith.constant 1 : i32
      %get3A_979 = arith.index_cast %get3A_977 : i32 to index
      %get3A_980 = arith.index_cast %get3A_978 : i32 to index
      %get3A_981 = arith.index_cast %multiple_of3A_974 : i32 to index
      %get3A_982 = tpu.vector_load %arg8[%get3A_979, %get3A_980, %get3A_981] {strides = array<i32>} : memref<2x32x1000xf32, #tpu.memory_space<vmem>>, vector<1x1x16xf32>,
      %get3A_983 = vector.shape_cast %get3A_982 : vector<1x1x16xf32> to vector<16xf32>
      %eq3A_984 = vector.broadcast %and3A_976 : i32 to vector<16xi32>
      %eq3A_985 = arith.cmpi eq, %iota3A, %eq3A_984 : vector<16xi32>
      %jit3A_986 = arith.constant 0.000000e+00 : f32
      %broadcast_in_dim3A_987 = vector.broadcast %jit3A_986 : f32 to vector<16xf32>
      %select_n3A_988 = arith.select %eq3A_985, %get3A_983, %broadcast_in_dim3A_987 : vector<16xi1>, vector<16xf32>
      %slice3A_989 = vector.extract_strided_slice %get3A_941 {offsets = [1], sizes = [1], strides = [1]} : vector<16xf32> to vector<1xf32>
      %squeeze3A_990 = vector.extract %slice3A_989[0] : f32 from vector<1xf32>
      %mul3A_991 = vector.broadcast %squeeze3A_990 : f32 to vector<16xf32>
      %mul3A_992 = arith.mulf %select_n3A_988, %mul3A_991 : vector<16xf32>
      %add3A_993 = arith.addf %add3A_967, %mul3A_992 : vector<16xf32>
      %slice3A_994 = vector.extract_strided_slice %get3A_934 {offsets = [2], sizes = [1], strides = [1]} : vector<16xi32> to vector<1xi32>
      %squeeze3A_995 = vector.extract %slice3A_994[0] : i32 from vector<1xi32>
      %shift_right_arithmetic3A_996 = arith.constant 4 : i32
      %shift_right_arithmetic3A_997 = arith.shrsi %squeeze3A_995, %shift_right_arithmetic3A_996 : i32
      %shift_left3A_998 = arith.constant 4 : i32
      %shift_left3A_999 = arith.shli %shift_right_arithmetic3A_997, %shift_left3A_998 : i32
      %multiple_of3A_1000 = tpu.assume_multiple %shift_left3A_999, 16 : i32
      %and3A_1001 = arith.constant 15 : i32
      %and3A_1002 = arith.andi %squeeze3A_995, %and3A_1001 : i32
      %get3A_1003 = arith.constant 1 : i32
      %get3A_1004 = arith.constant 2 : i32
      %get3A_1005 = arith.index_cast %get3A_1003 : i32 to index
      %get3A_1006 = arith.index_cast %get3A_1004 : i32 to index
      %get3A_1007 = arith.index_cast %multiple_of3A_1000 : i32 to index
      %get3A_1008 = tpu.vector_load %arg8[%get3A_1005, %get3A_1006, %get3A_1007] {strides = array<i32>} : memref<2x32x1000xf32, #tpu.memory_space<vmem>>, vector<1x1x16xf32>,
      %get3A_1009 = vector.shape_cast %get3A_1008 : vector<1x1x16xf32> to vector<16xf32>
      %eq3A_1010 = vector.broadcast %and3A_1002 : i32 to vector<16xi32>
      %eq3A_1011 = arith.cmpi eq, %iota3A, %eq3A_1010 : vector<16xi32>
      %jit3A_1012 = arith.constant 0.000000e+00 : f32
      %broadcast_in_dim3A_1013 = vector.broadcast %jit3A_1012 : f32 to vector<16xf32>
      %select_n3A_1014 = arith.select %eq3A_1011, %get3A_1009, %broadcast_in_dim3A_1013 : vector<16xi1>, vector<16xf32>
      %slice3A_1015 = vector.extract_strided_slice %get3A_941 {offsets = [2], sizes = [1], strides = [1]} : vector<16xf32> to vector<1xf32>
      %squeeze3A_1016 = vector.extract %slice3A_1015[0] : f32 from vector<1xf32>
      %mul3A_1017 = vector.broadcast %squeeze3A_1016 : f32 to vector<16xf32>
      %mul3A_1018 = arith.mulf %select_n3A_1014, %mul3A_1017 : vector<16xf32>
      %add3A_1019 = arith.addf %add3A_993, %mul3A_1018 : vector<16xf32>
      %slice3A_1020 = vector.extract_strided_slice %get3A_934 {offsets = [3], sizes = [1], strides = [1]} : vector<16xi32> to vector<1xi32>
      %squeeze3A_1021 = vector.extract %slice3A_1020[0] : i32 from vector<1xi32>
      %shift_right_arithmetic3A_1022 = arith.constant 4 : i32
      %shift_right_arithmetic3A_1023 = arith.shrsi %squeeze3A_1021, %shift_right_arithmetic3A_1022 : i32
      %shift_left3A_1024 = arith.constant 4 : i32
      %shift_left3A_1025 = arith.shli %shift_right_arithmetic3A_1023, %shift_left3A_1024 : i32
      %multiple_of3A_1026 = tpu.assume_multiple %shift_left3A_1025, 16 : i32
      %and3A_1027 = arith.constant 15 : i32
      %and3A_1028 = arith.andi %squeeze3A_1021, %and3A_1027 : i32
      %get3A_1029 = arith.constant 1 : i32
      %get3A_1030 = arith.constant 3 : i32
      %get3A_1031 = arith.index_cast %get3A_1029 : i32 to index
      %get3A_1032 = arith.index_cast %get3A_1030 : i32 to index
      %get3A_1033 = arith.index_cast %multiple_of3A_1026 : i32 to index
      %get3A_1034 = tpu.vector_load %arg8[%get3A_1031, %get3A_1032, %get3A_1033] {strides = array<i32>} : memref<2x32x1000xf32, #tpu.memory_space<vmem>>, vector<1x1x16xf32>,
      %get3A_1035 = vector.shape_cast %get3A_1034 : vector<1x1x16xf32> to vector<16xf32>
      %eq3A_1036 = vector.broadcast %and3A_1028 : i32 to vector<16xi32>
      %eq3A_1037 = arith.cmpi eq, %iota3A, %eq3A_1036 : vector<16xi32>
      %jit3A_1038 = arith.constant 0.000000e+00 : f32
      %broadcast_in_dim3A_1039 = vector.broadcast %jit3A_1038 : f32 to vector<16xf32>
      %select_n3A_1040 = arith.select %eq3A_1037, %get3A_1035, %broadcast_in_dim3A_1039 : vector<16xi1>, vector<16xf32>
      %slice3A_1041 = vector.extract_strided_slice %get3A_941 {offsets = [3], sizes = [1], strides = [1]} : vector<16xf32> to vector<1xf32>
      %squeeze3A_1042 = vector.extract %slice3A_1041[0] : f32 from vector<1xf32>
      %mul3A_1043 = vector.broadcast %squeeze3A_1042 : f32 to vector<16xf32>
      %mul3A_1044 = arith.mulf %select_n3A_1040, %mul3A_1043 : vector<16xf32>
      %add3A_1045 = arith.addf %add3A_1019, %mul3A_1044 : vector<16xf32>
      %slice3A_1046 = vector.extract_strided_slice %get3A_934 {offsets = [4], sizes = [1], strides = [1]} : vector<16xi32> to vector<1xi32>
      %squeeze3A_1047 = vector.extract %slice3A_1046[0] : i32 from vector<1xi32>
      %shift_right_arithmetic3A_1048 = arith.constant 4 : i32
      %shift_right_arithmetic3A_1049 = arith.shrsi %squeeze3A_1047, %shift_right_arithmetic3A_1048 : i32
      %shift_left3A_1050 = arith.constant 4 : i32
      %shift_left3A_1051 = arith.shli %shift_right_arithmetic3A_1049, %shift_left3A_1050 : i32
      %multiple_of3A_1052 = tpu.assume_multiple %shift_left3A_1051, 16 : i32
      %and3A_1053 = arith.constant 15 : i32
      %and3A_1054 = arith.andi %squeeze3A_1047, %and3A_1053 : i32
      %get3A_1055 = arith.constant 1 : i32
      %get3A_1056 = arith.constant 4 : i32
      %get3A_1057 = arith.index_cast %get3A_1055 : i32 to index
      %get3A_1058 = arith.index_cast %get3A_1056 : i32 to index
      %get3A_1059 = arith.index_cast %multiple_of3A_1052 : i32 to index
      %get3A_1060 = tpu.vector_load %arg8[%get3A_1057, %get3A_1058, %get3A_1059] {strides = array<i32>} : memref<2x32x1000xf32, #tpu.memory_space<vmem>>, vector<1x1x16xf32>,
      %get3A_1061 = vector.shape_cast %get3A_1060 : vector<1x1x16xf32> to vector<16xf32>
      %eq3A_1062 = vector.broadcast %and3A_1054 : i32 to vector<16xi32>
      %eq3A_1063 = arith.cmpi eq, %iota3A, %eq3A_1062 : vector<16xi32>
      %jit3A_1064 = arith.constant 0.000000e+00 : f32
      %broadcast_in_dim3A_1065 = vector.broadcast %jit3A_1064 : f32 to vector<16xf32>
      %select_n3A_1066 = arith.select %eq3A_1063, %get3A_1061, %broadcast_in_dim3A_1065 : vector<16xi1>, vector<16xf32>
      %slice3A_1067 = vector.extract_strided_slice %get3A_941 {offsets = [4], sizes = [1], strides = [1]} : vector<16xf32> to vector<1xf32>
      %squeeze3A_1068 = vector.extract %slice3A_1067[0] : f32 from vector<1xf32>
      %mul3A_1069 = vector.broadcast %squeeze3A_1068 : f32 to vector<16xf32>
      %mul3A_1070 = arith.mulf %select_n3A_1066, %mul3A_1069 : vector<16xf32>
      %add3A_1071 = arith.addf %add3A_1045, %mul3A_1070 : vector<16xf32>
      %slice3A_1072 = vector.extract_strided_slice %get3A_934 {offsets = [5], sizes = [1], strides = [1]} : vector<16xi32> to vector<1xi32>
      %squeeze3A_1073 = vector.extract %slice3A_1072[0] : i32 from vector<1xi32>
      %shift_right_arithmetic3A_1074 = arith.constant 4 : i32
      %shift_right_arithmetic3A_1075 = arith.shrsi %squeeze3A_1073, %shift_right_arithmetic3A_1074 : i32
      %shift_left3A_1076 = arith.constant 4 : i32
      %shift_left3A_1077 = arith.shli %shift_right_arithmetic3A_1075, %shift_left3A_1076 : i32
      %multiple_of3A_1078 = tpu.assume_multiple %shift_left3A_1077, 16 : i32
      %and3A_1079 = arith.constant 15 : i32
      %and3A_1080 = arith.andi %squeeze3A_1073, %and3A_1079 : i32
      %get3A_1081 = arith.constant 1 : i32
      %get3A_1082 = arith.constant 5 : i32
      %get3A_1083 = arith.index_cast %get3A_1081 : i32 to index
      %get3A_1084 = arith.index_cast %get3A_1082 : i32 to index
      %get3A_1085 = arith.index_cast %multiple_of3A_1078 : i32 to index
      %get3A_1086 = tpu.vector_load %arg8[%get3A_1083, %get3A_1084, %get3A_1085] {strides = array<i32>} : memref<2x32x1000xf32, #tpu.memory_space<vmem>>, vector<1x1x16xf32>,
      %get3A_1087 = vector.shape_cast %get3A_1086 : vector<1x1x16xf32> to vector<16xf32>
      %eq3A_1088 = vector.broadcast %and3A_1080 : i32 to vector<16xi32>
      %eq3A_1089 = arith.cmpi eq, %iota3A, %eq3A_1088 : vector<16xi32>
      %jit3A_1090 = arith.constant 0.000000e+00 : f32
      %broadcast_in_dim3A_1091 = vector.broadcast %jit3A_1090 : f32 to vector<16xf32>
      %select_n3A_1092 = arith.select %eq3A_1089, %get3A_1087, %broadcast_in_dim3A_1091 : vector<16xi1>, vector<16xf32>
      %slice3A_1093 = vector.extract_strided_slice %get3A_941 {offsets = [5], sizes = [1], strides = [1]} : vector<16xf32> to vector<1xf32>
      %squeeze3A_1094 = vector.extract %slice3A_1093[0] : f32 from vector<1xf32>
      %mul3A_1095 = vector.broadcast %squeeze3A_1094 : f32 to vector<16xf32>
      %mul3A_1096 = arith.mulf %select_n3A_1092, %mul3A_1095 : vector<16xf32>
      %add3A_1097 = arith.addf %add3A_1071, %mul3A_1096 : vector<16xf32>
      %slice3A_1098 = vector.extract_strided_slice %get3A_934 {offsets = [6], sizes = [1], strides = [1]} : vector<16xi32> to vector<1xi32>
      %squeeze3A_1099 = vector.extract %slice3A_1098[0] : i32 from vector<1xi32>
      %shift_right_arithmetic3A_1100 = arith.constant 4 : i32
      %shift_right_arithmetic3A_1101 = arith.shrsi %squeeze3A_1099, %shift_right_arithmetic3A_1100 : i32
      %shift_left3A_1102 = arith.constant 4 : i32
      %shift_left3A_1103 = arith.shli %shift_right_arithmetic3A_1101, %shift_left3A_1102 : i32
      %multiple_of3A_1104 = tpu.assume_multiple %shift_left3A_1103, 16 : i32
      %and3A_1105 = arith.constant 15 : i32
      %and3A_1106 = arith.andi %squeeze3A_1099, %and3A_1105 : i32
      %get3A_1107 = arith.constant 1 : i32
      %get3A_1108 = arith.constant 6 : i32
      %get3A_1109 = arith.index_cast %get3A_1107 : i32 to index
      %get3A_1110 = arith.index_cast %get3A_1108 : i32 to index
      %get3A_1111 = arith.index_cast %multiple_of3A_1104 : i32 to index
      %get3A_1112 = tpu.vector_load %arg8[%get3A_1109, %get3A_1110, %get3A_1111] {strides = array<i32>} : memref<2x32x1000xf32, #tpu.memory_space<vmem>>, vector<1x1x16xf32>,
      %get3A_1113 = vector.shape_cast %get3A_1112 : vector<1x1x16xf32> to vector<16xf32>
      %eq3A_1114 = vector.broadcast %and3A_1106 : i32 to vector<16xi32>
      %eq3A_1115 = arith.cmpi eq, %iota3A, %eq3A_1114 : vector<16xi32>
      %jit3A_1116 = arith.constant 0.000000e+00 : f32
      %broadcast_in_dim3A_1117 = vector.broadcast %jit3A_1116 : f32 to vector<16xf32>
      %select_n3A_1118 = arith.select %eq3A_1115, %get3A_1113, %broadcast_in_dim3A_1117 : vector<16xi1>, vector<16xf32>
      %slice3A_1119 = vector.extract_strided_slice %get3A_941 {offsets = [6], sizes = [1], strides = [1]} : vector<16xf32> to vector<1xf32>
      %squeeze3A_1120 = vector.extract %slice3A_1119[0] : f32 from vector<1xf32>
      %mul3A_1121 = vector.broadcast %squeeze3A_1120 : f32 to vector<16xf32>
      %mul3A_1122 = arith.mulf %select_n3A_1118, %mul3A_1121 : vector<16xf32>
      %add3A_1123 = arith.addf %add3A_1097, %mul3A_1122 : vector<16xf32>
      %slice3A_1124 = vector.extract_strided_slice %get3A_934 {offsets = [7], sizes = [1], strides = [1]} : vector<16xi32> to vector<1xi32>
      %squeeze3A_1125 = vector.extract %slice3A_1124[0] : i32 from vector<1xi32>
      %shift_right_arithmetic3A_1126 = arith.constant 4 : i32
      %shift_right_arithmetic3A_1127 = arith.shrsi %squeeze3A_1125, %shift_right_arithmetic3A_1126 : i32
      %shift_left3A_1128 = arith.constant 4 : i32
      %shift_left3A_1129 = arith.shli %shift_right_arithmetic3A_1127, %shift_left3A_1128 : i32
      %multiple_of3A_1130 = tpu.assume_multiple %shift_left3A_1129, 16 : i32
      %and3A_1131 = arith.constant 15 : i32
      %and3A_1132 = arith.andi %squeeze3A_1125, %and3A_1131 : i32
      %get3A_1133 = arith.constant 1 : i32
      %get3A_1134 = arith.constant 7 : i32
      %get3A_1135 = arith.index_cast %get3A_1133 : i32 to index
      %get3A_1136 = arith.index_cast %get3A_1134 : i32 to index
      %get3A_1137 = arith.index_cast %multiple_of3A_1130 : i32 to index
      %get3A_1138 = tpu.vector_load %arg8[%get3A_1135, %get3A_1136, %get3A_1137] {strides = array<i32>} : memref<2x32x1000xf32, #tpu.memory_space<vmem>>, vector<1x1x16xf32>,
      %get3A_1139 = vector.shape_cast %get3A_1138 : vector<1x1x16xf32> to vector<16xf32>
      %eq3A_1140 = vector.broadcast %and3A_1132 : i32 to vector<16xi32>
      %eq3A_1141 = arith.cmpi eq, %iota3A, %eq3A_1140 : vector<16xi32>
      %jit3A_1142 = arith.constant 0.000000e+00 : f32
      %broadcast_in_dim3A_1143 = vector.broadcast %jit3A_1142 : f32 to vector<16xf32>
      %select_n3A_1144 = arith.select %eq3A_1141, %get3A_1139, %broadcast_in_dim3A_1143 : vector<16xi1>, vector<16xf32>
      %slice3A_1145 = vector.extract_strided_slice %get3A_941 {offsets = [7], sizes = [1], strides = [1]} : vector<16xf32> to vector<1xf32>
      %squeeze3A_1146 = vector.extract %slice3A_1145[0] : f32 from vector<1xf32>
      %mul3A_1147 = vector.broadcast %squeeze3A_1146 : f32 to vector<16xf32>
      %mul3A_1148 = arith.mulf %select_n3A_1144, %mul3A_1147 : vector<16xf32>
      %add3A_1149 = arith.addf %add3A_1123, %mul3A_1148 : vector<16xf32>
      %slice3A_1150 = vector.extract_strided_slice %get3A_934 {offsets = [8], sizes = [1], strides = [1]} : vector<16xi32> to vector<1xi32>
      %squeeze3A_1151 = vector.extract %slice3A_1150[0] : i32 from vector<1xi32>
      %shift_right_arithmetic3A_1152 = arith.constant 4 : i32
      %shift_right_arithmetic3A_1153 = arith.shrsi %squeeze3A_1151, %shift_right_arithmetic3A_1152 : i32
      %shift_left3A_1154 = arith.constant 4 : i32
      %shift_left3A_1155 = arith.shli %shift_right_arithmetic3A_1153, %shift_left3A_1154 : i32
      %multiple_of3A_1156 = tpu.assume_multiple %shift_left3A_1155, 16 : i32
      %and3A_1157 = arith.constant 15 : i32
      %and3A_1158 = arith.andi %squeeze3A_1151, %and3A_1157 : i32
      %get3A_1159 = arith.constant 1 : i32
      %get3A_1160 = arith.constant 8 : i32
      %get3A_1161 = arith.index_cast %get3A_1159 : i32 to index
      %get3A_1162 = arith.index_cast %get3A_1160 : i32 to index
      %get3A_1163 = arith.index_cast %multiple_of3A_1156 : i32 to index
      %get3A_1164 = tpu.vector_load %arg8[%get3A_1161, %get3A_1162, %get3A_1163] {strides = array<i32>} : memref<2x32x1000xf32, #tpu.memory_space<vmem>>, vector<1x1x16xf32>,
      %get3A_1165 = vector.shape_cast %get3A_1164 : vector<1x1x16xf32> to vector<16xf32>
      %eq3A_1166 = vector.broadcast %and3A_1158 : i32 to vector<16xi32>
      %eq3A_1167 = arith.cmpi eq, %iota3A, %eq3A_1166 : vector<16xi32>
      %jit3A_1168 = arith.constant 0.000000e+00 : f32
      %broadcast_in_dim3A_1169 = vector.broadcast %jit3A_1168 : f32 to vector<16xf32>
      %select_n3A_1170 = arith.select %eq3A_1167, %get3A_1165, %broadcast_in_dim3A_1169 : vector<16xi1>, vector<16xf32>
      %slice3A_1171 = vector.extract_strided_slice %get3A_941 {offsets = [8], sizes = [1], strides = [1]} : vector<16xf32> to vector<1xf32>
      %squeeze3A_1172 = vector.extract %slice3A_1171[0] : f32 from vector<1xf32>
      %mul3A_1173 = vector.broadcast %squeeze3A_1172 : f32 to vector<16xf32>
      %mul3A_1174 = arith.mulf %select_n3A_1170, %mul3A_1173 : vector<16xf32>
      %add3A_1175 = arith.addf %add3A_1149, %mul3A_1174 : vector<16xf32>
      %slice3A_1176 = vector.extract_strided_slice %get3A_934 {offsets = [9], sizes = [1], strides = [1]} : vector<16xi32> to vector<1xi32>
      %squeeze3A_1177 = vector.extract %slice3A_1176[0] : i32 from vector<1xi32>
      %shift_right_arithmetic3A_1178 = arith.constant 4 : i32
      %shift_right_arithmetic3A_1179 = arith.shrsi %squeeze3A_1177, %shift_right_arithmetic3A_1178 : i32
      %shift_left3A_1180 = arith.constant 4 : i32
      %shift_left3A_1181 = arith.shli %shift_right_arithmetic3A_1179, %shift_left3A_1180 : i32
      %multiple_of3A_1182 = tpu.assume_multiple %shift_left3A_1181, 16 : i32
      %and3A_1183 = arith.constant 15 : i32
      %and3A_1184 = arith.andi %squeeze3A_1177, %and3A_1183 : i32
      %get3A_1185 = arith.constant 1 : i32
      %get3A_1186 = arith.constant 9 : i32
      %get3A_1187 = arith.index_cast %get3A_1185 : i32 to index
      %get3A_1188 = arith.index_cast %get3A_1186 : i32 to index
      %get3A_1189 = arith.index_cast %multiple_of3A_1182 : i32 to index
      %get3A_1190 = tpu.vector_load %arg8[%get3A_1187, %get3A_1188, %get3A_1189] {strides = array<i32>} : memref<2x32x1000xf32, #tpu.memory_space<vmem>>, vector<1x1x16xf32>,
      %get3A_1191 = vector.shape_cast %get3A_1190 : vector<1x1x16xf32> to vector<16xf32>
      %eq3A_1192 = vector.broadcast %and3A_1184 : i32 to vector<16xi32>
      %eq3A_1193 = arith.cmpi eq, %iota3A, %eq3A_1192 : vector<16xi32>
      %jit3A_1194 = arith.constant 0.000000e+00 : f32
      %broadcast_in_dim3A_1195 = vector.broadcast %jit3A_1194 : f32 to vector<16xf32>
      %select_n3A_1196 = arith.select %eq3A_1193, %get3A_1191, %broadcast_in_dim3A_1195 : vector<16xi1>, vector<16xf32>
      %slice3A_1197 = vector.extract_strided_slice %get3A_941 {offsets = [9], sizes = [1], strides = [1]} : vector<16xf32> to vector<1xf32>
      %squeeze3A_1198 = vector.extract %slice3A_1197[0] : f32 from vector<1xf32>
      %mul3A_1199 = vector.broadcast %squeeze3A_1198 : f32 to vector<16xf32>
      %mul3A_1200 = arith.mulf %select_n3A_1196, %mul3A_1199 : vector<16xf32>
      %add3A_1201 = arith.addf %add3A_1175, %mul3A_1200 : vector<16xf32>
      %slice3A_1202 = vector.extract_strided_slice %get3A_934 {offsets = [10], sizes = [1], strides = [1]} : vector<16xi32> to vector<1xi32>
      %squeeze3A_1203 = vector.extract %slice3A_1202[0] : i32 from vector<1xi32>
      %shift_right_arithmetic3A_1204 = arith.constant 4 : i32
      %shift_right_arithmetic3A_1205 = arith.shrsi %squeeze3A_1203, %shift_right_arithmetic3A_1204 : i32
      %shift_left3A_1206 = arith.constant 4 : i32
      %shift_left3A_1207 = arith.shli %shift_right_arithmetic3A_1205, %shift_left3A_1206 : i32
      %multiple_of3A_1208 = tpu.assume_multiple %shift_left3A_1207, 16 : i32
      %and3A_1209 = arith.constant 15 : i32
      %and3A_1210 = arith.andi %squeeze3A_1203, %and3A_1209 : i32
      %get3A_1211 = arith.constant 1 : i32
      %get3A_1212 = arith.constant 10 : i32
      %get3A_1213 = arith.index_cast %get3A_1211 : i32 to index
      %get3A_1214 = arith.index_cast %get3A_1212 : i32 to index
      %get3A_1215 = arith.index_cast %multiple_of3A_1208 : i32 to index
      %get3A_1216 = tpu.vector_load %arg8[%get3A_1213, %get3A_1214, %get3A_1215] {strides = array<i32>} : memref<2x32x1000xf32, #tpu.memory_space<vmem>>, vector<1x1x16xf32>,
      %get3A_1217 = vector.shape_cast %get3A_1216 : vector<1x1x16xf32> to vector<16xf32>
      %eq3A_1218 = vector.broadcast %and3A_1210 : i32 to vector<16xi32>
      %eq3A_1219 = arith.cmpi eq, %iota3A, %eq3A_1218 : vector<16xi32>
      %jit3A_1220 = arith.constant 0.000000e+00 : f32
      %broadcast_in_dim3A_1221 = vector.broadcast %jit3A_1220 : f32 to vector<16xf32>
      %select_n3A_1222 = arith.select %eq3A_1219, %get3A_1217, %broadcast_in_dim3A_1221 : vector<16xi1>, vector<16xf32>
      %slice3A_1223 = vector.extract_strided_slice %get3A_941 {offsets = [10], sizes = [1], strides = [1]} : vector<16xf32> to vector<1xf32>
      %squeeze3A_1224 = vector.extract %slice3A_1223[0] : f32 from vector<1xf32>
      %mul3A_1225 = vector.broadcast %squeeze3A_1224 : f32 to vector<16xf32>
      %mul3A_1226 = arith.mulf %select_n3A_1222, %mul3A_1225 : vector<16xf32>
      %add3A_1227 = arith.addf %add3A_1201, %mul3A_1226 : vector<16xf32>
      %slice3A_1228 = vector.extract_strided_slice %get3A_934 {offsets = [11], sizes = [1], strides = [1]} : vector<16xi32> to vector<1xi32>
      %squeeze3A_1229 = vector.extract %slice3A_1228[0] : i32 from vector<1xi32>
      %shift_right_arithmetic3A_1230 = arith.constant 4 : i32
      %shift_right_arithmetic3A_1231 = arith.shrsi %squeeze3A_1229, %shift_right_arithmetic3A_1230 : i32
      %shift_left3A_1232 = arith.constant 4 : i32
      %shift_left3A_1233 = arith.shli %shift_right_arithmetic3A_1231, %shift_left3A_1232 : i32
      %multiple_of3A_1234 = tpu.assume_multiple %shift_left3A_1233, 16 : i32
      %and3A_1235 = arith.constant 15 : i32
      %and3A_1236 = arith.andi %squeeze3A_1229, %and3A_1235 : i32
      %get3A_1237 = arith.constant 1 : i32
      %get3A_1238 = arith.constant 11 : i32
      %get3A_1239 = arith.index_cast %get3A_1237 : i32 to index
      %get3A_1240 = arith.index_cast %get3A_1238 : i32 to index
      %get3A_1241 = arith.index_cast %multiple_of3A_1234 : i32 to index
      %get3A_1242 = tpu.vector_load %arg8[%get3A_1239, %get3A_1240, %get3A_1241] {strides = array<i32>} : memref<2x32x1000xf32, #tpu.memory_space<vmem>>, vector<1x1x16xf32>,
      %get3A_1243 = vector.shape_cast %get3A_1242 : vector<1x1x16xf32> to vector<16xf32>
      %eq3A_1244 = vector.broadcast %and3A_1236 : i32 to vector<16xi32>
      %eq3A_1245 = arith.cmpi eq, %iota3A, %eq3A_1244 : vector<16xi32>
      %jit3A_1246 = arith.constant 0.000000e+00 : f32
      %broadcast_in_dim3A_1247 = vector.broadcast %jit3A_1246 : f32 to vector<16xf32>
      %select_n3A_1248 = arith.select %eq3A_1245, %get3A_1243, %broadcast_in_dim3A_1247 : vector<16xi1>, vector<16xf32>
      %slice3A_1249 = vector.extract_strided_slice %get3A_941 {offsets = [11], sizes = [1], strides = [1]} : vector<16xf32> to vector<1xf32>
      %squeeze3A_1250 = vector.extract %slice3A_1249[0] : f32 from vector<1xf32>
      %mul3A_1251 = vector.broadcast %squeeze3A_1250 : f32 to vector<16xf32>
      %mul3A_1252 = arith.mulf %select_n3A_1248, %mul3A_1251 : vector<16xf32>
      %add3A_1253 = arith.addf %add3A_1227, %mul3A_1252 : vector<16xf32>
      %slice3A_1254 = vector.extract_strided_slice %get3A_934 {offsets = [12], sizes = [1], strides = [1]} : vector<16xi32> to vector<1xi32>
      %squeeze3A_1255 = vector.extract %slice3A_1254[0] : i32 from vector<1xi32>
      %shift_right_arithmetic3A_1256 = arith.constant 4 : i32
      %shift_right_arithmetic3A_1257 = arith.shrsi %squeeze3A_1255, %shift_right_arithmetic3A_1256 : i32
      %shift_left3A_1258 = arith.constant 4 : i32
      %shift_left3A_1259 = arith.shli %shift_right_arithmetic3A_1257, %shift_left3A_1258 : i32
      %multiple_of3A_1260 = tpu.assume_multiple %shift_left3A_1259, 16 : i32
      %and3A_1261 = arith.constant 15 : i32
      %and3A_1262 = arith.andi %squeeze3A_1255, %and3A_1261 : i32
      %get3A_1263 = arith.constant 1 : i32
      %get3A_1264 = arith.constant 12 : i32
      %get3A_1265 = arith.index_cast %get3A_1263 : i32 to index
      %get3A_1266 = arith.index_cast %get3A_1264 : i32 to index
      %get3A_1267 = arith.index_cast %multiple_of3A_1260 : i32 to index
      %get3A_1268 = tpu.vector_load %arg8[%get3A_1265, %get3A_1266, %get3A_1267] {strides = array<i32>} : memref<2x32x1000xf32, #tpu.memory_space<vmem>>, vector<1x1x16xf32>,
      %get3A_1269 = vector.shape_cast %get3A_1268 : vector<1x1x16xf32> to vector<16xf32>
      %eq3A_1270 = vector.broadcast %and3A_1262 : i32 to vector<16xi32>
      %eq3A_1271 = arith.cmpi eq, %iota3A, %eq3A_1270 : vector<16xi32>
      %jit3A_1272 = arith.constant 0.000000e+00 : f32
      %broadcast_in_dim3A_1273 = vector.broadcast %jit3A_1272 : f32 to vector<16xf32>
      %select_n3A_1274 = arith.select %eq3A_1271, %get3A_1269, %broadcast_in_dim3A_1273 : vector<16xi1>, vector<16xf32>
      %slice3A_1275 = vector.extract_strided_slice %get3A_941 {offsets = [12], sizes = [1], strides = [1]} : vector<16xf32> to vector<1xf32>
      %squeeze3A_1276 = vector.extract %slice3A_1275[0] : f32 from vector<1xf32>
      %mul3A_1277 = vector.broadcast %squeeze3A_1276 : f32 to vector<16xf32>
      %mul3A_1278 = arith.mulf %select_n3A_1274, %mul3A_1277 : vector<16xf32>
      %add3A_1279 = arith.addf %add3A_1253, %mul3A_1278 : vector<16xf32>
      %slice3A_1280 = vector.extract_strided_slice %get3A_934 {offsets = [13], sizes = [1], strides = [1]} : vector<16xi32> to vector<1xi32>
      %squeeze3A_1281 = vector.extract %slice3A_1280[0] : i32 from vector<1xi32>
      %shift_right_arithmetic3A_1282 = arith.constant 4 : i32
      %shift_right_arithmetic3A_1283 = arith.shrsi %squeeze3A_1281, %shift_right_arithmetic3A_1282 : i32
      %shift_left3A_1284 = arith.constant 4 : i32
      %shift_left3A_1285 = arith.shli %shift_right_arithmetic3A_1283, %shift_left3A_1284 : i32
      %multiple_of3A_1286 = tpu.assume_multiple %shift_left3A_1285, 16 : i32
      %and3A_1287 = arith.constant 15 : i32
      %and3A_1288 = arith.andi %squeeze3A_1281, %and3A_1287 : i32
      %get3A_1289 = arith.constant 1 : i32
      %get3A_1290 = arith.constant 13 : i32
      %get3A_1291 = arith.index_cast %get3A_1289 : i32 to index
      %get3A_1292 = arith.index_cast %get3A_1290 : i32 to index
      %get3A_1293 = arith.index_cast %multiple_of3A_1286 : i32 to index
      %get3A_1294 = tpu.vector_load %arg8[%get3A_1291, %get3A_1292, %get3A_1293] {strides = array<i32>} : memref<2x32x1000xf32, #tpu.memory_space<vmem>>, vector<1x1x16xf32>,
      %get3A_1295 = vector.shape_cast %get3A_1294 : vector<1x1x16xf32> to vector<16xf32>
      %eq3A_1296 = vector.broadcast %and3A_1288 : i32 to vector<16xi32>
      %eq3A_1297 = arith.cmpi eq, %iota3A, %eq3A_1296 : vector<16xi32>
      %jit3A_1298 = arith.constant 0.000000e+00 : f32
      %broadcast_in_dim3A_1299 = vector.broadcast %jit3A_1298 : f32 to vector<16xf32>
      %select_n3A_1300 = arith.select %eq3A_1297, %get3A_1295, %broadcast_in_dim3A_1299 : vector<16xi1>, vector<16xf32>
      %slice3A_1301 = vector.extract_strided_slice %get3A_941 {offsets = [13], sizes = [1], strides = [1]} : vector<16xf32> to vector<1xf32>
      %squeeze3A_1302 = vector.extract %slice3A_1301[0] : f32 from vector<1xf32>
      %mul3A_1303 = vector.broadcast %squeeze3A_1302 : f32 to vector<16xf32>
      %mul3A_1304 = arith.mulf %select_n3A_1300, %mul3A_1303 : vector<16xf32>
      %add3A_1305 = arith.addf %add3A_1279, %mul3A_1304 : vector<16xf32>
      %slice3A_1306 = vector.extract_strided_slice %get3A_934 {offsets = [14], sizes = [1], strides = [1]} : vector<16xi32> to vector<1xi32>
      %squeeze3A_1307 = vector.extract %slice3A_1306[0] : i32 from vector<1xi32>
      %shift_right_arithmetic3A_1308 = arith.constant 4 : i32
      %shift_right_arithmetic3A_1309 = arith.shrsi %squeeze3A_1307, %shift_right_arithmetic3A_1308 : i32
      %shift_left3A_1310 = arith.constant 4 : i32
      %shift_left3A_1311 = arith.shli %shift_right_arithmetic3A_1309, %shift_left3A_1310 : i32
      %multiple_of3A_1312 = tpu.assume_multiple %shift_left3A_1311, 16 : i32
      %and3A_1313 = arith.constant 15 : i32
      %and3A_1314 = arith.andi %squeeze3A_1307, %and3A_1313 : i32
      %get3A_1315 = arith.constant 1 : i32
      %get3A_1316 = arith.constant 14 : i32
      %get3A_1317 = arith.index_cast %get3A_1315 : i32 to index
      %get3A_1318 = arith.index_cast %get3A_1316 : i32 to index
      %get3A_1319 = arith.index_cast %multiple_of3A_1312 : i32 to index
      %get3A_1320 = tpu.vector_load %arg8[%get3A_1317, %get3A_1318, %get3A_1319] {strides = array<i32>} : memref<2x32x1000xf32, #tpu.memory_space<vmem>>, vector<1x1x16xf32>,
      %get3A_1321 = vector.shape_cast %get3A_1320 : vector<1x1x16xf32> to vector<16xf32>
      %eq3A_1322 = vector.broadcast %and3A_1314 : i32 to vector<16xi32>
      %eq3A_1323 = arith.cmpi eq, %iota3A, %eq3A_1322 : vector<16xi32>
      %jit3A_1324 = arith.constant 0.000000e+00 : f32
      %broadcast_in_dim3A_1325 = vector.broadcast %jit3A_1324 : f32 to vector<16xf32>
      %select_n3A_1326 = arith.select %eq3A_1323, %get3A_1321, %broadcast_in_dim3A_1325 : vector<16xi1>, vector<16xf32>
      %slice3A_1327 = vector.extract_strided_slice %get3A_941 {offsets = [14], sizes = [1], strides = [1]} : vector<16xf32> to vector<1xf32>
      %squeeze3A_1328 = vector.extract %slice3A_1327[0] : f32 from vector<1xf32>
      %mul3A_1329 = vector.broadcast %squeeze3A_1328 : f32 to vector<16xf32>
      %mul3A_1330 = arith.mulf %select_n3A_1326, %mul3A_1329 : vector<16xf32>
      %add3A_1331 = arith.addf %add3A_1305, %mul3A_1330 : vector<16xf32>
      %slice3A_1332 = vector.extract_strided_slice %get3A_934 {offsets = [15], sizes = [1], strides = [1]} : vector<16xi32> to vector<1xi32>
      %squeeze3A_1333 = vector.extract %slice3A_1332[0] : i32 from vector<1xi32>
      %shift_right_arithmetic3A_1334 = arith.constant 4 : i32
      %shift_right_arithmetic3A_1335 = arith.shrsi %squeeze3A_1333, %shift_right_arithmetic3A_1334 : i32
      %shift_left3A_1336 = arith.constant 4 : i32
      %shift_left3A_1337 = arith.shli %shift_right_arithmetic3A_1335, %shift_left3A_1336 : i32
      %multiple_of3A_1338 = tpu.assume_multiple %shift_left3A_1337, 16 : i32
      %and3A_1339 = arith.constant 15 : i32
      %and3A_1340 = arith.andi %squeeze3A_1333, %and3A_1339 : i32
      %get3A_1341 = arith.constant 1 : i32
      %get3A_1342 = arith.constant 15 : i32
      %get3A_1343 = arith.index_cast %get3A_1341 : i32 to index
      %get3A_1344 = arith.index_cast %get3A_1342 : i32 to index
      %get3A_1345 = arith.index_cast %multiple_of3A_1338 : i32 to index
      %get3A_1346 = tpu.vector_load %arg8[%get3A_1343, %get3A_1344, %get3A_1345] {strides = array<i32>} : memref<2x32x1000xf32, #tpu.memory_space<vmem>>, vector<1x1x16xf32>,
      %get3A_1347 = vector.shape_cast %get3A_1346 : vector<1x1x16xf32> to vector<16xf32>
      %eq3A_1348 = vector.broadcast %and3A_1340 : i32 to vector<16xi32>
      %eq3A_1349 = arith.cmpi eq, %iota3A, %eq3A_1348 : vector<16xi32>
      %jit3A_1350 = arith.constant 0.000000e+00 : f32
      %broadcast_in_dim3A_1351 = vector.broadcast %jit3A_1350 : f32 to vector<16xf32>
      %select_n3A_1352 = arith.select %eq3A_1349, %get3A_1347, %broadcast_in_dim3A_1351 : vector<16xi1>, vector<16xf32>
      %slice3A_1353 = vector.extract_strided_slice %get3A_941 {offsets = [15], sizes = [1], strides = [1]} : vector<16xf32> to vector<1xf32>
      %squeeze3A_1354 = vector.extract %slice3A_1353[0] : f32 from vector<1xf32>
      %mul3A_1355 = vector.broadcast %squeeze3A_1354 : f32 to vector<16xf32>
      %mul3A_1356 = arith.mulf %select_n3A_1352, %mul3A_1355 : vector<16xf32>
      %add3A_1357 = arith.addf %add3A_1331, %mul3A_1356 : vector<16xf32>
      %mul3A_1358 = arith.constant 32 : i32
      %mul3A_1359 = arith.muli %add3A_927, %mul3A_1358 : i32
      %add3A_1360 = arith.constant 16 : i32
      %add3A_1361 = arith.addi %mul3A_1359, %add3A_1360 : i32
      %get3A_1362 = arith.index_cast %add3A_1361 : i32 to index
      %get3A_1363 = tpu.vector_load %arg6[%get3A_1362] {strides = array<i32>} : memref<512xi32, #tpu.memory_space<vmem>>, vector<16xi32>,
      %get3A_1364 = vector.shape_cast %get3A_1363 : vector<16xi32> to vector<16xi32>
      %mul3A_1365 = arith.constant 32 : i32
      %mul3A_1366 = arith.muli %add3A_927, %mul3A_1365 : i32
      %add3A_1367 = arith.constant 16 : i32
      %add3A_1368 = arith.addi %mul3A_1366, %add3A_1367 : i32
      %get3A_1369 = arith.index_cast %add3A_1368 : i32 to index
      %get3A_1370 = tpu.vector_load %arg7[%get3A_1369] {strides = array<i32>} : memref<512xf32, #tpu.memory_space<vmem>>, vector<16xf32>,
      %get3A_1371 = vector.shape_cast %get3A_1370 : vector<16xf32> to vector<16xf32>
      %slice3A_1372 = vector.extract_strided_slice %get3A_1364 {offsets = [0], sizes = [1], strides = [1]} : vector<16xi32> to vector<1xi32>
      %squeeze3A_1373 = vector.extract %slice3A_1372[0] : i32 from vector<1xi32>
      %shift_right_arithmetic3A_1374 = arith.constant 4 : i32
      %shift_right_arithmetic3A_1375 = arith.shrsi %squeeze3A_1373, %shift_right_arithmetic3A_1374 : i32
      %shift_left3A_1376 = arith.constant 4 : i32
      %shift_left3A_1377 = arith.shli %shift_right_arithmetic3A_1375, %shift_left3A_1376 : i32
      %multiple_of3A_1378 = tpu.assume_multiple %shift_left3A_1377, 16 : i32
      %and3A_1379 = arith.constant 15 : i32
      %and3A_1380 = arith.andi %squeeze3A_1373, %and3A_1379 : i32
      %get3A_1381 = arith.constant 1 : i32
      %get3A_1382 = arith.constant 16 : i32
      %get3A_1383 = arith.index_cast %get3A_1381 : i32 to index
      %get3A_1384 = arith.index_cast %get3A_1382 : i32 to index
      %get3A_1385 = arith.index_cast %multiple_of3A_1378 : i32 to index
      %get3A_1386 = tpu.vector_load %arg8[%get3A_1383, %get3A_1384, %get3A_1385] {strides = array<i32>} : memref<2x32x1000xf32, #tpu.memory_space<vmem>>, vector<1x1x16xf32>,
      %get3A_1387 = vector.shape_cast %get3A_1386 : vector<1x1x16xf32> to vector<16xf32>
      %eq3A_1388 = vector.broadcast %and3A_1380 : i32 to vector<16xi32>
      %eq3A_1389 = arith.cmpi eq, %iota3A, %eq3A_1388 : vector<16xi32>
      %jit3A_1390 = arith.constant 0.000000e+00 : f32
      %broadcast_in_dim3A_1391 = vector.broadcast %jit3A_1390 : f32 to vector<16xf32>
      %select_n3A_1392 = arith.select %eq3A_1389, %get3A_1387, %broadcast_in_dim3A_1391 : vector<16xi1>, vector<16xf32>
      %slice3A_1393 = vector.extract_strided_slice %get3A_1371 {offsets = [0], sizes = [1], strides = [1]} : vector<16xf32> to vector<1xf32>
      %squeeze3A_1394 = vector.extract %slice3A_1393[0] : f32 from vector<1xf32>
      %mul3A_1395 = vector.broadcast %squeeze3A_1394 : f32 to vector<16xf32>
      %mul3A_1396 = arith.mulf %select_n3A_1392, %mul3A_1395 : vector<16xf32>
      %add3A_1397 = arith.addf %add3A_1357, %mul3A_1396 : vector<16xf32>
      %slice3A_1398 = vector.extract_strided_slice %get3A_1364 {offsets = [1], sizes = [1], strides = [1]} : vector<16xi32> to vector<1xi32>
      %squeeze3A_1399 = vector.extract %slice3A_1398[0] : i32 from vector<1xi32>
      %shift_right_arithmetic3A_1400 = arith.constant 4 : i32
      %shift_right_arithmetic3A_1401 = arith.shrsi %squeeze3A_1399, %shift_right_arithmetic3A_1400 : i32
      %shift_left3A_1402 = arith.constant 4 : i32
      %shift_left3A_1403 = arith.shli %shift_right_arithmetic3A_1401, %shift_left3A_1402 : i32
      %multiple_of3A_1404 = tpu.assume_multiple %shift_left3A_1403, 16 : i32
      %and3A_1405 = arith.constant 15 : i32
      %and3A_1406 = arith.andi %squeeze3A_1399, %and3A_1405 : i32
      %get3A_1407 = arith.constant 1 : i32
      %get3A_1408 = arith.constant 17 : i32
      %get3A_1409 = arith.index_cast %get3A_1407 : i32 to index
      %get3A_1410 = arith.index_cast %get3A_1408 : i32 to index
      %get3A_1411 = arith.index_cast %multiple_of3A_1404 : i32 to index
      %get3A_1412 = tpu.vector_load %arg8[%get3A_1409, %get3A_1410, %get3A_1411] {strides = array<i32>} : memref<2x32x1000xf32, #tpu.memory_space<vmem>>, vector<1x1x16xf32>,
      %get3A_1413 = vector.shape_cast %get3A_1412 : vector<1x1x16xf32> to vector<16xf32>
      %eq3A_1414 = vector.broadcast %and3A_1406 : i32 to vector<16xi32>
      %eq3A_1415 = arith.cmpi eq, %iota3A, %eq3A_1414 : vector<16xi32>
      %jit3A_1416 = arith.constant 0.000000e+00 : f32
      %broadcast_in_dim3A_1417 = vector.broadcast %jit3A_1416 : f32 to vector<16xf32>
      %select_n3A_1418 = arith.select %eq3A_1415, %get3A_1413, %broadcast_in_dim3A_1417 : vector<16xi1>, vector<16xf32>
      %slice3A_1419 = vector.extract_strided_slice %get3A_1371 {offsets = [1], sizes = [1], strides = [1]} : vector<16xf32> to vector<1xf32>
      %squeeze3A_1420 = vector.extract %slice3A_1419[0] : f32 from vector<1xf32>
      %mul3A_1421 = vector.broadcast %squeeze3A_1420 : f32 to vector<16xf32>
      %mul3A_1422 = arith.mulf %select_n3A_1418, %mul3A_1421 : vector<16xf32>
      %add3A_1423 = arith.addf %add3A_1397, %mul3A_1422 : vector<16xf32>
      %slice3A_1424 = vector.extract_strided_slice %get3A_1364 {offsets = [2], sizes = [1], strides = [1]} : vector<16xi32> to vector<1xi32>
      %squeeze3A_1425 = vector.extract %slice3A_1424[0] : i32 from vector<1xi32>
      %shift_right_arithmetic3A_1426 = arith.constant 4 : i32
      %shift_right_arithmetic3A_1427 = arith.shrsi %squeeze3A_1425, %shift_right_arithmetic3A_1426 : i32
      %shift_left3A_1428 = arith.constant 4 : i32
      %shift_left3A_1429 = arith.shli %shift_right_arithmetic3A_1427, %shift_left3A_1428 : i32
      %multiple_of3A_1430 = tpu.assume_multiple %shift_left3A_1429, 16 : i32
      %and3A_1431 = arith.constant 15 : i32
      %and3A_1432 = arith.andi %squeeze3A_1425, %and3A_1431 : i32
      %get3A_1433 = arith.constant 1 : i32
      %get3A_1434 = arith.constant 18 : i32
      %get3A_1435 = arith.index_cast %get3A_1433 : i32 to index
      %get3A_1436 = arith.index_cast %get3A_1434 : i32 to index
      %get3A_1437 = arith.index_cast %multiple_of3A_1430 : i32 to index
      %get3A_1438 = tpu.vector_load %arg8[%get3A_1435, %get3A_1436, %get3A_1437] {strides = array<i32>} : memref<2x32x1000xf32, #tpu.memory_space<vmem>>, vector<1x1x16xf32>,
      %get3A_1439 = vector.shape_cast %get3A_1438 : vector<1x1x16xf32> to vector<16xf32>
      %eq3A_1440 = vector.broadcast %and3A_1432 : i32 to vector<16xi32>
      %eq3A_1441 = arith.cmpi eq, %iota3A, %eq3A_1440 : vector<16xi32>
      %jit3A_1442 = arith.constant 0.000000e+00 : f32
      %broadcast_in_dim3A_1443 = vector.broadcast %jit3A_1442 : f32 to vector<16xf32>
      %select_n3A_1444 = arith.select %eq3A_1441, %get3A_1439, %broadcast_in_dim3A_1443 : vector<16xi1>, vector<16xf32>
      %slice3A_1445 = vector.extract_strided_slice %get3A_1371 {offsets = [2], sizes = [1], strides = [1]} : vector<16xf32> to vector<1xf32>
      %squeeze3A_1446 = vector.extract %slice3A_1445[0] : f32 from vector<1xf32>
      %mul3A_1447 = vector.broadcast %squeeze3A_1446 : f32 to vector<16xf32>
      %mul3A_1448 = arith.mulf %select_n3A_1444, %mul3A_1447 : vector<16xf32>
      %add3A_1449 = arith.addf %add3A_1423, %mul3A_1448 : vector<16xf32>
      %slice3A_1450 = vector.extract_strided_slice %get3A_1364 {offsets = [3], sizes = [1], strides = [1]} : vector<16xi32> to vector<1xi32>
      %squeeze3A_1451 = vector.extract %slice3A_1450[0] : i32 from vector<1xi32>
      %shift_right_arithmetic3A_1452 = arith.constant 4 : i32
      %shift_right_arithmetic3A_1453 = arith.shrsi %squeeze3A_1451, %shift_right_arithmetic3A_1452 : i32
      %shift_left3A_1454 = arith.constant 4 : i32
      %shift_left3A_1455 = arith.shli %shift_right_arithmetic3A_1453, %shift_left3A_1454 : i32
      %multiple_of3A_1456 = tpu.assume_multiple %shift_left3A_1455, 16 : i32
      %and3A_1457 = arith.constant 15 : i32
      %and3A_1458 = arith.andi %squeeze3A_1451, %and3A_1457 : i32
      %get3A_1459 = arith.constant 1 : i32
      %get3A_1460 = arith.constant 19 : i32
      %get3A_1461 = arith.index_cast %get3A_1459 : i32 to index
      %get3A_1462 = arith.index_cast %get3A_1460 : i32 to index
      %get3A_1463 = arith.index_cast %multiple_of3A_1456 : i32 to index
      %get3A_1464 = tpu.vector_load %arg8[%get3A_1461, %get3A_1462, %get3A_1463] {strides = array<i32>} : memref<2x32x1000xf32, #tpu.memory_space<vmem>>, vector<1x1x16xf32>,
      %get3A_1465 = vector.shape_cast %get3A_1464 : vector<1x1x16xf32> to vector<16xf32>
      %eq3A_1466 = vector.broadcast %and3A_1458 : i32 to vector<16xi32>
      %eq3A_1467 = arith.cmpi eq, %iota3A, %eq3A_1466 : vector<16xi32>
      %jit3A_1468 = arith.constant 0.000000e+00 : f32
      %broadcast_in_dim3A_1469 = vector.broadcast %jit3A_1468 : f32 to vector<16xf32>
      %select_n3A_1470 = arith.select %eq3A_1467, %get3A_1465, %broadcast_in_dim3A_1469 : vector<16xi1>, vector<16xf32>
      %slice3A_1471 = vector.extract_strided_slice %get3A_1371 {offsets = [3], sizes = [1], strides = [1]} : vector<16xf32> to vector<1xf32>
      %squeeze3A_1472 = vector.extract %slice3A_1471[0] : f32 from vector<1xf32>
      %mul3A_1473 = vector.broadcast %squeeze3A_1472 : f32 to vector<16xf32>
      %mul3A_1474 = arith.mulf %select_n3A_1470, %mul3A_1473 : vector<16xf32>
      %add3A_1475 = arith.addf %add3A_1449, %mul3A_1474 : vector<16xf32>
      %slice3A_1476 = vector.extract_strided_slice %get3A_1364 {offsets = [4], sizes = [1], strides = [1]} : vector<16xi32> to vector<1xi32>
      %squeeze3A_1477 = vector.extract %slice3A_1476[0] : i32 from vector<1xi32>
      %shift_right_arithmetic3A_1478 = arith.constant 4 : i32
      %shift_right_arithmetic3A_1479 = arith.shrsi %squeeze3A_1477, %shift_right_arithmetic3A_1478 : i32
      %shift_left3A_1480 = arith.constant 4 : i32
      %shift_left3A_1481 = arith.shli %shift_right_arithmetic3A_1479, %shift_left3A_1480 : i32
      %multiple_of3A_1482 = tpu.assume_multiple %shift_left3A_1481, 16 : i32
      %and3A_1483 = arith.constant 15 : i32
      %and3A_1484 = arith.andi %squeeze3A_1477, %and3A_1483 : i32
      %get3A_1485 = arith.constant 1 : i32
      %get3A_1486 = arith.constant 20 : i32
      %get3A_1487 = arith.index_cast %get3A_1485 : i32 to index
      %get3A_1488 = arith.index_cast %get3A_1486 : i32 to index
      %get3A_1489 = arith.index_cast %multiple_of3A_1482 : i32 to index
      %get3A_1490 = tpu.vector_load %arg8[%get3A_1487, %get3A_1488, %get3A_1489] {strides = array<i32>} : memref<2x32x1000xf32, #tpu.memory_space<vmem>>, vector<1x1x16xf32>,
      %get3A_1491 = vector.shape_cast %get3A_1490 : vector<1x1x16xf32> to vector<16xf32>
      %eq3A_1492 = vector.broadcast %and3A_1484 : i32 to vector<16xi32>
      %eq3A_1493 = arith.cmpi eq, %iota3A, %eq3A_1492 : vector<16xi32>
      %jit3A_1494 = arith.constant 0.000000e+00 : f32
      %broadcast_in_dim3A_1495 = vector.broadcast %jit3A_1494 : f32 to vector<16xf32>
      %select_n3A_1496 = arith.select %eq3A_1493, %get3A_1491, %broadcast_in_dim3A_1495 : vector<16xi1>, vector<16xf32>
      %slice3A_1497 = vector.extract_strided_slice %get3A_1371 {offsets = [4], sizes = [1], strides = [1]} : vector<16xf32> to vector<1xf32>
      %squeeze3A_1498 = vector.extract %slice3A_1497[0] : f32 from vector<1xf32>
      %mul3A_1499 = vector.broadcast %squeeze3A_1498 : f32 to vector<16xf32>
      %mul3A_1500 = arith.mulf %select_n3A_1496, %mul3A_1499 : vector<16xf32>
      %add3A_1501 = arith.addf %add3A_1475, %mul3A_1500 : vector<16xf32>
      %slice3A_1502 = vector.extract_strided_slice %get3A_1364 {offsets = [5], sizes = [1], strides = [1]} : vector<16xi32> to vector<1xi32>
      %squeeze3A_1503 = vector.extract %slice3A_1502[0] : i32 from vector<1xi32>
      %shift_right_arithmetic3A_1504 = arith.constant 4 : i32
      %shift_right_arithmetic3A_1505 = arith.shrsi %squeeze3A_1503, %shift_right_arithmetic3A_1504 : i32
      %shift_left3A_1506 = arith.constant 4 : i32
      %shift_left3A_1507 = arith.shli %shift_right_arithmetic3A_1505, %shift_left3A_1506 : i32
      %multiple_of3A_1508 = tpu.assume_multiple %shift_left3A_1507, 16 : i32
      %and3A_1509 = arith.constant 15 : i32
      %and3A_1510 = arith.andi %squeeze3A_1503, %and3A_1509 : i32
      %get3A_1511 = arith.constant 1 : i32
      %get3A_1512 = arith.constant 21 : i32
      %get3A_1513 = arith.index_cast %get3A_1511 : i32 to index
      %get3A_1514 = arith.index_cast %get3A_1512 : i32 to index
      %get3A_1515 = arith.index_cast %multiple_of3A_1508 : i32 to index
      %get3A_1516 = tpu.vector_load %arg8[%get3A_1513, %get3A_1514, %get3A_1515] {strides = array<i32>} : memref<2x32x1000xf32, #tpu.memory_space<vmem>>, vector<1x1x16xf32>,
      %get3A_1517 = vector.shape_cast %get3A_1516 : vector<1x1x16xf32> to vector<16xf32>
      %eq3A_1518 = vector.broadcast %and3A_1510 : i32 to vector<16xi32>
      %eq3A_1519 = arith.cmpi eq, %iota3A, %eq3A_1518 : vector<16xi32>
      %jit3A_1520 = arith.constant 0.000000e+00 : f32
      %broadcast_in_dim3A_1521 = vector.broadcast %jit3A_1520 : f32 to vector<16xf32>
      %select_n3A_1522 = arith.select %eq3A_1519, %get3A_1517, %broadcast_in_dim3A_1521 : vector<16xi1>, vector<16xf32>
      %slice3A_1523 = vector.extract_strided_slice %get3A_1371 {offsets = [5], sizes = [1], strides = [1]} : vector<16xf32> to vector<1xf32>
      %squeeze3A_1524 = vector.extract %slice3A_1523[0] : f32 from vector<1xf32>
      %mul3A_1525 = vector.broadcast %squeeze3A_1524 : f32 to vector<16xf32>
      %mul3A_1526 = arith.mulf %select_n3A_1522, %mul3A_1525 : vector<16xf32>
      %add3A_1527 = arith.addf %add3A_1501, %mul3A_1526 : vector<16xf32>
      %slice3A_1528 = vector.extract_strided_slice %get3A_1364 {offsets = [6], sizes = [1], strides = [1]} : vector<16xi32> to vector<1xi32>
      %squeeze3A_1529 = vector.extract %slice3A_1528[0] : i32 from vector<1xi32>
      %shift_right_arithmetic3A_1530 = arith.constant 4 : i32
      %shift_right_arithmetic3A_1531 = arith.shrsi %squeeze3A_1529, %shift_right_arithmetic3A_1530 : i32
      %shift_left3A_1532 = arith.constant 4 : i32
      %shift_left3A_1533 = arith.shli %shift_right_arithmetic3A_1531, %shift_left3A_1532 : i32
      %multiple_of3A_1534 = tpu.assume_multiple %shift_left3A_1533, 16 : i32
      %and3A_1535 = arith.constant 15 : i32
      %and3A_1536 = arith.andi %squeeze3A_1529, %and3A_1535 : i32
      %get3A_1537 = arith.constant 1 : i32
      %get3A_1538 = arith.constant 22 : i32
      %get3A_1539 = arith.index_cast %get3A_1537 : i32 to index
      %get3A_1540 = arith.index_cast %get3A_1538 : i32 to index
      %get3A_1541 = arith.index_cast %multiple_of3A_1534 : i32 to index
      %get3A_1542 = tpu.vector_load %arg8[%get3A_1539, %get3A_1540, %get3A_1541] {strides = array<i32>} : memref<2x32x1000xf32, #tpu.memory_space<vmem>>, vector<1x1x16xf32>,
      %get3A_1543 = vector.shape_cast %get3A_1542 : vector<1x1x16xf32> to vector<16xf32>
      %eq3A_1544 = vector.broadcast %and3A_1536 : i32 to vector<16xi32>
      %eq3A_1545 = arith.cmpi eq, %iota3A, %eq3A_1544 : vector<16xi32>
      %jit3A_1546 = arith.constant 0.000000e+00 : f32
      %broadcast_in_dim3A_1547 = vector.broadcast %jit3A_1546 : f32 to vector<16xf32>
      %select_n3A_1548 = arith.select %eq3A_1545, %get3A_1543, %broadcast_in_dim3A_1547 : vector<16xi1>, vector<16xf32>
      %slice3A_1549 = vector.extract_strided_slice %get3A_1371 {offsets = [6], sizes = [1], strides = [1]} : vector<16xf32> to vector<1xf32>
      %squeeze3A_1550 = vector.extract %slice3A_1549[0] : f32 from vector<1xf32>
      %mul3A_1551 = vector.broadcast %squeeze3A_1550 : f32 to vector<16xf32>
      %mul3A_1552 = arith.mulf %select_n3A_1548, %mul3A_1551 : vector<16xf32>
      %add3A_1553 = arith.addf %add3A_1527, %mul3A_1552 : vector<16xf32>
      %slice3A_1554 = vector.extract_strided_slice %get3A_1364 {offsets = [7], sizes = [1], strides = [1]} : vector<16xi32> to vector<1xi32>
      %squeeze3A_1555 = vector.extract %slice3A_1554[0] : i32 from vector<1xi32>
      %shift_right_arithmetic3A_1556 = arith.constant 4 : i32
      %shift_right_arithmetic3A_1557 = arith.shrsi %squeeze3A_1555, %shift_right_arithmetic3A_1556 : i32
      %shift_left3A_1558 = arith.constant 4 : i32
      %shift_left3A_1559 = arith.shli %shift_right_arithmetic3A_1557, %shift_left3A_1558 : i32
      %multiple_of3A_1560 = tpu.assume_multiple %shift_left3A_1559, 16 : i32
      %and3A_1561 = arith.constant 15 : i32
      %and3A_1562 = arith.andi %squeeze3A_1555, %and3A_1561 : i32
      %get3A_1563 = arith.constant 1 : i32
      %get3A_1564 = arith.constant 23 : i32
      %get3A_1565 = arith.index_cast %get3A_1563 : i32 to index
      %get3A_1566 = arith.index_cast %get3A_1564 : i32 to index
      %get3A_1567 = arith.index_cast %multiple_of3A_1560 : i32 to index
      %get3A_1568 = tpu.vector_load %arg8[%get3A_1565, %get3A_1566, %get3A_1567] {strides = array<i32>} : memref<2x32x1000xf32, #tpu.memory_space<vmem>>, vector<1x1x16xf32>,
      %get3A_1569 = vector.shape_cast %get3A_1568 : vector<1x1x16xf32> to vector<16xf32>
      %eq3A_1570 = vector.broadcast %and3A_1562 : i32 to vector<16xi32>
      %eq3A_1571 = arith.cmpi eq, %iota3A, %eq3A_1570 : vector<16xi32>
      %jit3A_1572 = arith.constant 0.000000e+00 : f32
      %broadcast_in_dim3A_1573 = vector.broadcast %jit3A_1572 : f32 to vector<16xf32>
      %select_n3A_1574 = arith.select %eq3A_1571, %get3A_1569, %broadcast_in_dim3A_1573 : vector<16xi1>, vector<16xf32>
      %slice3A_1575 = vector.extract_strided_slice %get3A_1371 {offsets = [7], sizes = [1], strides = [1]} : vector<16xf32> to vector<1xf32>
      %squeeze3A_1576 = vector.extract %slice3A_1575[0] : f32 from vector<1xf32>
      %mul3A_1577 = vector.broadcast %squeeze3A_1576 : f32 to vector<16xf32>
      %mul3A_1578 = arith.mulf %select_n3A_1574, %mul3A_1577 : vector<16xf32>
      %add3A_1579 = arith.addf %add3A_1553, %mul3A_1578 : vector<16xf32>
      %slice3A_1580 = vector.extract_strided_slice %get3A_1364 {offsets = [8], sizes = [1], strides = [1]} : vector<16xi32> to vector<1xi32>
      %squeeze3A_1581 = vector.extract %slice3A_1580[0] : i32 from vector<1xi32>
      %shift_right_arithmetic3A_1582 = arith.constant 4 : i32
      %shift_right_arithmetic3A_1583 = arith.shrsi %squeeze3A_1581, %shift_right_arithmetic3A_1582 : i32
      %shift_left3A_1584 = arith.constant 4 : i32
      %shift_left3A_1585 = arith.shli %shift_right_arithmetic3A_1583, %shift_left3A_1584 : i32
      %multiple_of3A_1586 = tpu.assume_multiple %shift_left3A_1585, 16 : i32
      %and3A_1587 = arith.constant 15 : i32
      %and3A_1588 = arith.andi %squeeze3A_1581, %and3A_1587 : i32
      %get3A_1589 = arith.constant 1 : i32
      %get3A_1590 = arith.constant 24 : i32
      %get3A_1591 = arith.index_cast %get3A_1589 : i32 to index
      %get3A_1592 = arith.index_cast %get3A_1590 : i32 to index
      %get3A_1593 = arith.index_cast %multiple_of3A_1586 : i32 to index
      %get3A_1594 = tpu.vector_load %arg8[%get3A_1591, %get3A_1592, %get3A_1593] {strides = array<i32>} : memref<2x32x1000xf32, #tpu.memory_space<vmem>>, vector<1x1x16xf32>,
      %get3A_1595 = vector.shape_cast %get3A_1594 : vector<1x1x16xf32> to vector<16xf32>
      %eq3A_1596 = vector.broadcast %and3A_1588 : i32 to vector<16xi32>
      %eq3A_1597 = arith.cmpi eq, %iota3A, %eq3A_1596 : vector<16xi32>
      %jit3A_1598 = arith.constant 0.000000e+00 : f32
      %broadcast_in_dim3A_1599 = vector.broadcast %jit3A_1598 : f32 to vector<16xf32>
      %select_n3A_1600 = arith.select %eq3A_1597, %get3A_1595, %broadcast_in_dim3A_1599 : vector<16xi1>, vector<16xf32>
      %slice3A_1601 = vector.extract_strided_slice %get3A_1371 {offsets = [8], sizes = [1], strides = [1]} : vector<16xf32> to vector<1xf32>
      %squeeze3A_1602 = vector.extract %slice3A_1601[0] : f32 from vector<1xf32>
      %mul3A_1603 = vector.broadcast %squeeze3A_1602 : f32 to vector<16xf32>
      %mul3A_1604 = arith.mulf %select_n3A_1600, %mul3A_1603 : vector<16xf32>
      %add3A_1605 = arith.addf %add3A_1579, %mul3A_1604 : vector<16xf32>
      %slice3A_1606 = vector.extract_strided_slice %get3A_1364 {offsets = [9], sizes = [1], strides = [1]} : vector<16xi32> to vector<1xi32>
      %squeeze3A_1607 = vector.extract %slice3A_1606[0] : i32 from vector<1xi32>
      %shift_right_arithmetic3A_1608 = arith.constant 4 : i32
      %shift_right_arithmetic3A_1609 = arith.shrsi %squeeze3A_1607, %shift_right_arithmetic3A_1608 : i32
      %shift_left3A_1610 = arith.constant 4 : i32
      %shift_left3A_1611 = arith.shli %shift_right_arithmetic3A_1609, %shift_left3A_1610 : i32
      %multiple_of3A_1612 = tpu.assume_multiple %shift_left3A_1611, 16 : i32
      %and3A_1613 = arith.constant 15 : i32
      %and3A_1614 = arith.andi %squeeze3A_1607, %and3A_1613 : i32
      %get3A_1615 = arith.constant 1 : i32
      %get3A_1616 = arith.constant 25 : i32
      %get3A_1617 = arith.index_cast %get3A_1615 : i32 to index
      %get3A_1618 = arith.index_cast %get3A_1616 : i32 to index
      %get3A_1619 = arith.index_cast %multiple_of3A_1612 : i32 to index
      %get3A_1620 = tpu.vector_load %arg8[%get3A_1617, %get3A_1618, %get3A_1619] {strides = array<i32>} : memref<2x32x1000xf32, #tpu.memory_space<vmem>>, vector<1x1x16xf32>,
      %get3A_1621 = vector.shape_cast %get3A_1620 : vector<1x1x16xf32> to vector<16xf32>
      %eq3A_1622 = vector.broadcast %and3A_1614 : i32 to vector<16xi32>
      %eq3A_1623 = arith.cmpi eq, %iota3A, %eq3A_1622 : vector<16xi32>
      %jit3A_1624 = arith.constant 0.000000e+00 : f32
      %broadcast_in_dim3A_1625 = vector.broadcast %jit3A_1624 : f32 to vector<16xf32>
      %select_n3A_1626 = arith.select %eq3A_1623, %get3A_1621, %broadcast_in_dim3A_1625 : vector<16xi1>, vector<16xf32>
      %slice3A_1627 = vector.extract_strided_slice %get3A_1371 {offsets = [9], sizes = [1], strides = [1]} : vector<16xf32> to vector<1xf32>
      %squeeze3A_1628 = vector.extract %slice3A_1627[0] : f32 from vector<1xf32>
      %mul3A_1629 = vector.broadcast %squeeze3A_1628 : f32 to vector<16xf32>
      %mul3A_1630 = arith.mulf %select_n3A_1626, %mul3A_1629 : vector<16xf32>
      %add3A_1631 = arith.addf %add3A_1605, %mul3A_1630 : vector<16xf32>
      %slice3A_1632 = vector.extract_strided_slice %get3A_1364 {offsets = [10], sizes = [1], strides = [1]} : vector<16xi32> to vector<1xi32>
      %squeeze3A_1633 = vector.extract %slice3A_1632[0] : i32 from vector<1xi32>
      %shift_right_arithmetic3A_1634 = arith.constant 4 : i32
      %shift_right_arithmetic3A_1635 = arith.shrsi %squeeze3A_1633, %shift_right_arithmetic3A_1634 : i32
      %shift_left3A_1636 = arith.constant 4 : i32
      %shift_left3A_1637 = arith.shli %shift_right_arithmetic3A_1635, %shift_left3A_1636 : i32
      %multiple_of3A_1638 = tpu.assume_multiple %shift_left3A_1637, 16 : i32
      %and3A_1639 = arith.constant 15 : i32
      %and3A_1640 = arith.andi %squeeze3A_1633, %and3A_1639 : i32
      %get3A_1641 = arith.constant 1 : i32
      %get3A_1642 = arith.constant 26 : i32
      %get3A_1643 = arith.index_cast %get3A_1641 : i32 to index
      %get3A_1644 = arith.index_cast %get3A_1642 : i32 to index
      %get3A_1645 = arith.index_cast %multiple_of3A_1638 : i32 to index
      %get3A_1646 = tpu.vector_load %arg8[%get3A_1643, %get3A_1644, %get3A_1645] {strides = array<i32>} : memref<2x32x1000xf32, #tpu.memory_space<vmem>>, vector<1x1x16xf32>,
      %get3A_1647 = vector.shape_cast %get3A_1646 : vector<1x1x16xf32> to vector<16xf32>
      %eq3A_1648 = vector.broadcast %and3A_1640 : i32 to vector<16xi32>
      %eq3A_1649 = arith.cmpi eq, %iota3A, %eq3A_1648 : vector<16xi32>
      %jit3A_1650 = arith.constant 0.000000e+00 : f32
      %broadcast_in_dim3A_1651 = vector.broadcast %jit3A_1650 : f32 to vector<16xf32>
      %select_n3A_1652 = arith.select %eq3A_1649, %get3A_1647, %broadcast_in_dim3A_1651 : vector<16xi1>, vector<16xf32>
      %slice3A_1653 = vector.extract_strided_slice %get3A_1371 {offsets = [10], sizes = [1], strides = [1]} : vector<16xf32> to vector<1xf32>
      %squeeze3A_1654 = vector.extract %slice3A_1653[0] : f32 from vector<1xf32>
      %mul3A_1655 = vector.broadcast %squeeze3A_1654 : f32 to vector<16xf32>
      %mul3A_1656 = arith.mulf %select_n3A_1652, %mul3A_1655 : vector<16xf32>
      %add3A_1657 = arith.addf %add3A_1631, %mul3A_1656 : vector<16xf32>
      %slice3A_1658 = vector.extract_strided_slice %get3A_1364 {offsets = [11], sizes = [1], strides = [1]} : vector<16xi32> to vector<1xi32>
      %squeeze3A_1659 = vector.extract %slice3A_1658[0] : i32 from vector<1xi32>
      %shift_right_arithmetic3A_1660 = arith.constant 4 : i32
      %shift_right_arithmetic3A_1661 = arith.shrsi %squeeze3A_1659, %shift_right_arithmetic3A_1660 : i32
      %shift_left3A_1662 = arith.constant 4 : i32
      %shift_left3A_1663 = arith.shli %shift_right_arithmetic3A_1661, %shift_left3A_1662 : i32
      %multiple_of3A_1664 = tpu.assume_multiple %shift_left3A_1663, 16 : i32
      %and3A_1665 = arith.constant 15 : i32
      %and3A_1666 = arith.andi %squeeze3A_1659, %and3A_1665 : i32
      %get3A_1667 = arith.constant 1 : i32
      %get3A_1668 = arith.constant 27 : i32
      %get3A_1669 = arith.index_cast %get3A_1667 : i32 to index
      %get3A_1670 = arith.index_cast %get3A_1668 : i32 to index
      %get3A_1671 = arith.index_cast %multiple_of3A_1664 : i32 to index
      %get3A_1672 = tpu.vector_load %arg8[%get3A_1669, %get3A_1670, %get3A_1671] {strides = array<i32>} : memref<2x32x1000xf32, #tpu.memory_space<vmem>>, vector<1x1x16xf32>,
      %get3A_1673 = vector.shape_cast %get3A_1672 : vector<1x1x16xf32> to vector<16xf32>
      %eq3A_1674 = vector.broadcast %and3A_1666 : i32 to vector<16xi32>
      %eq3A_1675 = arith.cmpi eq, %iota3A, %eq3A_1674 : vector<16xi32>
      %jit3A_1676 = arith.constant 0.000000e+00 : f32
      %broadcast_in_dim3A_1677 = vector.broadcast %jit3A_1676 : f32 to vector<16xf32>
      %select_n3A_1678 = arith.select %eq3A_1675, %get3A_1673, %broadcast_in_dim3A_1677 : vector<16xi1>, vector<16xf32>
      %slice3A_1679 = vector.extract_strided_slice %get3A_1371 {offsets = [11], sizes = [1], strides = [1]} : vector<16xf32> to vector<1xf32>
      %squeeze3A_1680 = vector.extract %slice3A_1679[0] : f32 from vector<1xf32>
      %mul3A_1681 = vector.broadcast %squeeze3A_1680 : f32 to vector<16xf32>
      %mul3A_1682 = arith.mulf %select_n3A_1678, %mul3A_1681 : vector<16xf32>
      %add3A_1683 = arith.addf %add3A_1657, %mul3A_1682 : vector<16xf32>
      %slice3A_1684 = vector.extract_strided_slice %get3A_1364 {offsets = [12], sizes = [1], strides = [1]} : vector<16xi32> to vector<1xi32>
      %squeeze3A_1685 = vector.extract %slice3A_1684[0] : i32 from vector<1xi32>
      %shift_right_arithmetic3A_1686 = arith.constant 4 : i32
      %shift_right_arithmetic3A_1687 = arith.shrsi %squeeze3A_1685, %shift_right_arithmetic3A_1686 : i32
      %shift_left3A_1688 = arith.constant 4 : i32
      %shift_left3A_1689 = arith.shli %shift_right_arithmetic3A_1687, %shift_left3A_1688 : i32
      %multiple_of3A_1690 = tpu.assume_multiple %shift_left3A_1689, 16 : i32
      %and3A_1691 = arith.constant 15 : i32
      %and3A_1692 = arith.andi %squeeze3A_1685, %and3A_1691 : i32
      %get3A_1693 = arith.constant 1 : i32
      %get3A_1694 = arith.constant 28 : i32
      %get3A_1695 = arith.index_cast %get3A_1693 : i32 to index
      %get3A_1696 = arith.index_cast %get3A_1694 : i32 to index
      %get3A_1697 = arith.index_cast %multiple_of3A_1690 : i32 to index
      %get3A_1698 = tpu.vector_load %arg8[%get3A_1695, %get3A_1696, %get3A_1697] {strides = array<i32>} : memref<2x32x1000xf32, #tpu.memory_space<vmem>>, vector<1x1x16xf32>,
      %get3A_1699 = vector.shape_cast %get3A_1698 : vector<1x1x16xf32> to vector<16xf32>
      %eq3A_1700 = vector.broadcast %and3A_1692 : i32 to vector<16xi32>
      %eq3A_1701 = arith.cmpi eq, %iota3A, %eq3A_1700 : vector<16xi32>
      %jit3A_1702 = arith.constant 0.000000e+00 : f32
      %broadcast_in_dim3A_1703 = vector.broadcast %jit3A_1702 : f32 to vector<16xf32>
      %select_n3A_1704 = arith.select %eq3A_1701, %get3A_1699, %broadcast_in_dim3A_1703 : vector<16xi1>, vector<16xf32>
      %slice3A_1705 = vector.extract_strided_slice %get3A_1371 {offsets = [12], sizes = [1], strides = [1]} : vector<16xf32> to vector<1xf32>
      %squeeze3A_1706 = vector.extract %slice3A_1705[0] : f32 from vector<1xf32>
      %mul3A_1707 = vector.broadcast %squeeze3A_1706 : f32 to vector<16xf32>
      %mul3A_1708 = arith.mulf %select_n3A_1704, %mul3A_1707 : vector<16xf32>
      %add3A_1709 = arith.addf %add3A_1683, %mul3A_1708 : vector<16xf32>
      %slice3A_1710 = vector.extract_strided_slice %get3A_1364 {offsets = [13], sizes = [1], strides = [1]} : vector<16xi32> to vector<1xi32>
      %squeeze3A_1711 = vector.extract %slice3A_1710[0] : i32 from vector<1xi32>
      %shift_right_arithmetic3A_1712 = arith.constant 4 : i32
      %shift_right_arithmetic3A_1713 = arith.shrsi %squeeze3A_1711, %shift_right_arithmetic3A_1712 : i32
      %shift_left3A_1714 = arith.constant 4 : i32
      %shift_left3A_1715 = arith.shli %shift_right_arithmetic3A_1713, %shift_left3A_1714 : i32
      %multiple_of3A_1716 = tpu.assume_multiple %shift_left3A_1715, 16 : i32
      %and3A_1717 = arith.constant 15 : i32
      %and3A_1718 = arith.andi %squeeze3A_1711, %and3A_1717 : i32
      %get3A_1719 = arith.constant 1 : i32
      %get3A_1720 = arith.constant 29 : i32
      %get3A_1721 = arith.index_cast %get3A_1719 : i32 to index
      %get3A_1722 = arith.index_cast %get3A_1720 : i32 to index
      %get3A_1723 = arith.index_cast %multiple_of3A_1716 : i32 to index
      %get3A_1724 = tpu.vector_load %arg8[%get3A_1721, %get3A_1722, %get3A_1723] {strides = array<i32>} : memref<2x32x1000xf32, #tpu.memory_space<vmem>>, vector<1x1x16xf32>,
      %get3A_1725 = vector.shape_cast %get3A_1724 : vector<1x1x16xf32> to vector<16xf32>
      %eq3A_1726 = vector.broadcast %and3A_1718 : i32 to vector<16xi32>
      %eq3A_1727 = arith.cmpi eq, %iota3A, %eq3A_1726 : vector<16xi32>
      %jit3A_1728 = arith.constant 0.000000e+00 : f32
      %broadcast_in_dim3A_1729 = vector.broadcast %jit3A_1728 : f32 to vector<16xf32>
      %select_n3A_1730 = arith.select %eq3A_1727, %get3A_1725, %broadcast_in_dim3A_1729 : vector<16xi1>, vector<16xf32>
      %slice3A_1731 = vector.extract_strided_slice %get3A_1371 {offsets = [13], sizes = [1], strides = [1]} : vector<16xf32> to vector<1xf32>
      %squeeze3A_1732 = vector.extract %slice3A_1731[0] : f32 from vector<1xf32>
      %mul3A_1733 = vector.broadcast %squeeze3A_1732 : f32 to vector<16xf32>
      %mul3A_1734 = arith.mulf %select_n3A_1730, %mul3A_1733 : vector<16xf32>
      %add3A_1735 = arith.addf %add3A_1709, %mul3A_1734 : vector<16xf32>
      %slice3A_1736 = vector.extract_strided_slice %get3A_1364 {offsets = [14], sizes = [1], strides = [1]} : vector<16xi32> to vector<1xi32>
      %squeeze3A_1737 = vector.extract %slice3A_1736[0] : i32 from vector<1xi32>
      %shift_right_arithmetic3A_1738 = arith.constant 4 : i32
      %shift_right_arithmetic3A_1739 = arith.shrsi %squeeze3A_1737, %shift_right_arithmetic3A_1738 : i32
      %shift_left3A_1740 = arith.constant 4 : i32
      %shift_left3A_1741 = arith.shli %shift_right_arithmetic3A_1739, %shift_left3A_1740 : i32
      %multiple_of3A_1742 = tpu.assume_multiple %shift_left3A_1741, 16 : i32
      %and3A_1743 = arith.constant 15 : i32
      %and3A_1744 = arith.andi %squeeze3A_1737, %and3A_1743 : i32
      %get3A_1745 = arith.constant 1 : i32
      %get3A_1746 = arith.constant 30 : i32
      %get3A_1747 = arith.index_cast %get3A_1745 : i32 to index
      %get3A_1748 = arith.index_cast %get3A_1746 : i32 to index
      %get3A_1749 = arith.index_cast %multiple_of3A_1742 : i32 to index
      %get3A_1750 = tpu.vector_load %arg8[%get3A_1747, %get3A_1748, %get3A_1749] {strides = array<i32>} : memref<2x32x1000xf32, #tpu.memory_space<vmem>>, vector<1x1x16xf32>,
      %get3A_1751 = vector.shape_cast %get3A_1750 : vector<1x1x16xf32> to vector<16xf32>
      %eq3A_1752 = vector.broadcast %and3A_1744 : i32 to vector<16xi32>
      %eq3A_1753 = arith.cmpi eq, %iota3A, %eq3A_1752 : vector<16xi32>
      %jit3A_1754 = arith.constant 0.000000e+00 : f32
      %broadcast_in_dim3A_1755 = vector.broadcast %jit3A_1754 : f32 to vector<16xf32>
      %select_n3A_1756 = arith.select %eq3A_1753, %get3A_1751, %broadcast_in_dim3A_1755 : vector<16xi1>, vector<16xf32>
      %slice3A_1757 = vector.extract_strided_slice %get3A_1371 {offsets = [14], sizes = [1], strides = [1]} : vector<16xf32> to vector<1xf32>
      %squeeze3A_1758 = vector.extract %slice3A_1757[0] : f32 from vector<1xf32>
      %mul3A_1759 = vector.broadcast %squeeze3A_1758 : f32 to vector<16xf32>
      %mul3A_1760 = arith.mulf %select_n3A_1756, %mul3A_1759 : vector<16xf32>
      %add3A_1761 = arith.addf %add3A_1735, %mul3A_1760 : vector<16xf32>
      %slice3A_1762 = vector.extract_strided_slice %get3A_1364 {offsets = [15], sizes = [1], strides = [1]} : vector<16xi32> to vector<1xi32>
      %squeeze3A_1763 = vector.extract %slice3A_1762[0] : i32 from vector<1xi32>
      %shift_right_arithmetic3A_1764 = arith.constant 4 : i32
      %shift_right_arithmetic3A_1765 = arith.shrsi %squeeze3A_1763, %shift_right_arithmetic3A_1764 : i32
      %shift_left3A_1766 = arith.constant 4 : i32
      %shift_left3A_1767 = arith.shli %shift_right_arithmetic3A_1765, %shift_left3A_1766 : i32
      %multiple_of3A_1768 = tpu.assume_multiple %shift_left3A_1767, 16 : i32
      %and3A_1769 = arith.constant 15 : i32
      %and3A_1770 = arith.andi %squeeze3A_1763, %and3A_1769 : i32
      %get3A_1771 = arith.constant 1 : i32
      %get3A_1772 = arith.constant 31 : i32
      %get3A_1773 = arith.index_cast %get3A_1771 : i32 to index
      %get3A_1774 = arith.index_cast %get3A_1772 : i32 to index
      %get3A_1775 = arith.index_cast %multiple_of3A_1768 : i32 to index
      %get3A_1776 = tpu.vector_load %arg8[%get3A_1773, %get3A_1774, %get3A_1775] {strides = array<i32>} : memref<2x32x1000xf32, #tpu.memory_space<vmem>>, vector<1x1x16xf32>,
      %get3A_1777 = vector.shape_cast %get3A_1776 : vector<1x1x16xf32> to vector<16xf32>
      %eq3A_1778 = vector.broadcast %and3A_1770 : i32 to vector<16xi32>
      %eq3A_1779 = arith.cmpi eq, %iota3A, %eq3A_1778 : vector<16xi32>
      %jit3A_1780 = arith.constant 0.000000e+00 : f32
      %broadcast_in_dim3A_1781 = vector.broadcast %jit3A_1780 : f32 to vector<16xf32>
      %select_n3A_1782 = arith.select %eq3A_1779, %get3A_1777, %broadcast_in_dim3A_1781 : vector<16xi1>, vector<16xf32>
      %slice3A_1783 = vector.extract_strided_slice %get3A_1371 {offsets = [15], sizes = [1], strides = [1]} : vector<16xf32> to vector<1xf32>
      %squeeze3A_1784 = vector.extract %slice3A_1783[0] : f32 from vector<1xf32>
      %mul3A_1785 = vector.broadcast %squeeze3A_1784 : f32 to vector<16xf32>
      %mul3A_1786 = arith.mulf %select_n3A_1782, %mul3A_1785 : vector<16xf32>
      %add3A_1787 = arith.addf %add3A_1761, %mul3A_1786 : vector<16xf32>
      %add3A_1788 = arith.constant 3 : i32
      %add3A_1789 = arith.addi %mul3A_46, %add3A_1788 : i32
      %lt3A_1790 = arith.constant 16 : i32
      %lt3A_1791 = arith.cmpi slt, %add3A_1789, %lt3A_1790 : i32
      %convert_element_type3A_1792 = arith.extui %lt3A_1791 : i1 to i32
      %cond3A_1793 = arith.constant 0 : i32
      %cond3A_1794 = arith.cmpi ne, %convert_element_type3A_1792, %cond3A_1793 : i32
      scf.if %cond3A_1794 {
        %add3A_1795 = arith.constant 3 : i32
        %add3A_1796 = arith.addi %mul3A_46, %add3A_1795 : i32
        %mul3A_1797 = arith.constant 32 : i32
        %mul3A_1798 = arith.muli %add3A_1796, %mul3A_1797 : i32
        %add3A_1799 = arith.addi %mul3A_2, %mul3A_1798 : i32
        %dma_start3A_1800 = arith.constant 1 : i32
        %dma_start3A_1801 = arith.constant 0 : i32
        %dma_start3A_1802 = arith.constant 0 : i32
        %dma_start3A_1803 = tpu.memref_slice %arg8[%dma_start3A_1800, %dma_start3A_1801, %dma_start3A_1802] : memref<2x32x1000xf32, #tpu.memory_space<vmem>> -> memref<1x32x1000xf32, #tpu.memory_space<vmem>>
        %dma_start3A_1804 = tpu.memref_squeeze %dma_start3A_1803 : memref<1x32x1000xf32, #tpu.memory_space<vmem>> -> memref<32x1000xf32, #tpu.memory_space<vmem>>
        %dma_start3A_1805 = arith.constant 0 : i32
        %dma_start3A_1806 = tpu.memref_slice %arg2[%add3A_1799, %dma_start3A_1805] : memref<16384x1000xf32, #tpu.memory_space<hbm>> -> memref<32x1000xf32, #tpu.memory_space<hbm>>
        %dma_start3A_1807 = arith.constant 0 : i32
        %dma_start3A_1808 = arith.constant 0 : i32
        %dma_start3A_1809 = tpu.memref_slice %arg8[%dma_start3A_1800, %dma_start3A_1807, %dma_start3A_1808] : memref<2x32x1000xf32, #tpu.memory_space<vmem>> -> memref<1x32x1000xf32, #tpu.memory_space<vmem>>
        %dma_start3A_1810 = tpu.memref_squeeze %dma_start3A_1809 : memref<1x32x1000xf32, #tpu.memory_space<vmem>> -> memref<32x1000xf32, #tpu.memory_space<vmem>>
        %dma_start3A_1811 = arith.constant 0 : i32
        %dma_start3A_1812 = tpu.memref_slice %arg2[%add3A_1799, %dma_start3A_1811] : memref<16384x1000xf32, #tpu.memory_space<hbm>> -> memref<32x1000xf32, #tpu.memory_space<hbm>>
        tpu.enqueue_dma source(%dma_start3A_1812 : memref<32x1000xf32, #tpu.memory_space<hbm>>) target(%dma_start3A_1810 : memref<32x1000xf32, #tpu.memory_space<vmem>>) target_semaphore(%arg11 : memref<!tpu.dma_semaphore, #tpu.memory_space<semaphore_mem>>)
      } else {
      }
      scf.yield %add3A_1787 : vector<16xf32>
    }
    %scan3A_37 = arith.constant 8 : i32
    %neg3A = arith.constant 0.000000e+00 : f32
    %neg3A_38 = vector.broadcast %neg3A : f32 to vector<16xf32>
    %neg3A_39 = arith.subf %neg3A_38, %scan3A_36 : vector<16xf32>
    %swap3A = arith.constant 0 : index
    %swap3A_40 = tpu.vector_load %arg9[%swap3A] {strides = array<i32>} : memref<16xf32, #tpu.memory_space<vmem>>, vector<16xf32>,
    %swap3A_41 = vector.shape_cast %swap3A_40 : vector<16xf32> to vector<16xf32>
    %swap3A_42 = vector.shape_cast %neg3A_39 : vector<16xf32> to vector<16xf32>
    tpu.vector_store %arg9[%swap3A], %swap3A_42 {strides = array<i32>} : memref<16xf32, #tpu.memory_space<vmem>>, vector<16xf32>,
    "tpu.region"() ({
      %run_scoped3A = tpu.sem_alloc : memref<!tpu.dma_semaphore, #tpu.memory_space<semaphore_mem>>
      %dma_start3A_43 = arith.constant 0 : i32
      %dma_start3A_44 = tpu.memref_slice %arg5[%add3A, %dma_start3A_43] : memref<32x16xf32, #tpu.memory_space<hbm>> -> memref<1x16xf32, #tpu.memory_space<hbm>>
      %dma_start3A_45 = tpu.memref_squeeze %dma_start3A_44 : memref<1x16xf32, #tpu.memory_space<hbm>> -> memref<16xf32, #tpu.memory_space<hbm>>
      %dma_start3A_46 = arith.constant 0 : i32
      %dma_start3A_47 = tpu.memref_slice %arg5[%add3A, %dma_start3A_46] : memref<32x16xf32, #tpu.memory_space<hbm>> -> memref<1x16xf32, #tpu.memory_space<hbm>>
      %dma_start3A_48 = tpu.memref_squeeze %dma_start3A_47 : memref<1x16xf32, #tpu.memory_space<hbm>> -> memref<16xf32, #tpu.memory_space<hbm>>
      tpu.enqueue_dma source(%arg9 : memref<16xf32, #tpu.memory_space<vmem>>) target(%dma_start3A_48 : memref<16xf32, #tpu.memory_space<hbm>>) target_semaphore(%run_scoped3A : memref<!tpu.dma_semaphore, #tpu.memory_space<semaphore_mem>>)
      %dma_wait3A = arith.constant 0 : i32
      %dma_wait3A_49 = tpu.memref_slice %arg5[%add3A, %dma_wait3A] : memref<32x16xf32, #tpu.memory_space<hbm>> -> memref<1x16xf32, #tpu.memory_space<hbm>>
      %dma_wait3A_50 = tpu.memref_squeeze %dma_wait3A_49 : memref<1x16xf32, #tpu.memory_space<hbm>> -> memref<16xf32, #tpu.memory_space<hbm>>
      %dma_wait3A_51 = arith.constant 0 : i32
      %dma_wait3A_52 = tpu.memref_slice %arg5[%add3A, %dma_wait3A_51] : memref<32x16xf32, #tpu.memory_space<hbm>> -> memref<1x16xf32, #tpu.memory_space<hbm>>
      %dma_wait3A_53 = tpu.memref_squeeze %dma_wait3A_52 : memref<1x16xf32, #tpu.memory_space<hbm>> -> memref<16xf32, #tpu.memory_space<hbm>>
      tpu.wait_dma2 semaphore(%run_scoped3A : memref<!tpu.dma_semaphore, #tpu.memory_space<semaphore_mem>>) src(%arg9 : memref<16xf32, #tpu.memory_space<vmem>>) dst(%dma_wait3A_53 : memref<16xf32, #tpu.memory_space<hbm>>)
      tpu.yield
    }) : () -> ()
    return
  }
}

</mosaic_0001>

<sc_bundles>
// kernel: kernel.3.cloned.1.call-start
scs
__scs_entry_jumppad:
0x0: {  	(pc) =	sbr.rel $0x88, $3  }
0x1: {  	(tag) =	ssettag $0x0;
	lr =	simm.s32 $0x1  }
0x2: {  	[smem:$0x3F9E] =	sst lr;
	_ =	strace $0xD0000000  }
0x3: {  	_ = 	snop  }
0x4: {  	_ = 	snop  }
0x5: {  	_ = 	snop  }
0x6: {  	_ = 	snop  }
0x7: {  	_ = 	snop  }
__scs_overlays_trampoline_lowered:
0x8: {  	[smem:$0x3FAD] =	sst s0  }
0x9: {  	[smem:$0x3FAE] =	sst s1  }
0xa: {  	[smem:$0x3FAF] =	sst s2  }
0xb: {  	[smem:$0x3FB0] =	sst s3  }
0xc: {  	[smem:$0x3FB1] =	sst s4  }
0xd: {  	[smem:$0x3FB2] =	sst s5  }
0xe: {  	[smem:$0x3FB3] =	sst s6  }
0xf: {  	[smem:$0x3FB4] =	sst s7  }
0x10: {  	[smem:$0x3FB5] =	sst s8  }
0x11: {  	[smem:$0x3FB6] =	sst s9;
	s0 =	simm.s32 @!p0 $0x0  }
0x12: {  	s1 =	sld [smem:$0x3F9C];
	s0 =	simm.s32 @p0 $0x1  }
0x13: {  	[smem:$0x3FB7] =	sst s0;
	s0 =	simm.s32 @!p1 $0x0  }
0x14: {  	s2 =	sld [smem:$0x3F9B];
	s0 =	simm.s32 @p1 $0x1  }
0x15: {  	[smem:$0x3FB8] =	sst s0;
	s0 =	simm.s32 @!p2 $0x0  }
0x16: {  	s3 =	sld [smem:$0x3FDB];
	s0 =	simm.s32 @p2 $0x1  }
0x17: {  	s4 =	simm.s32 $0x1BF5;
	[smem:$0x3FBA] =	sst s0  }
0x18: {  	s0 =	sld [smem:$0x3F9D];
	_ =	swait.ge [sflag:s4], $0x0  }
0x19: {  	s7 =	sld [smem:$0x3F9E]  }
0x1a: {  	s8 =	sadd.s32 $0xFFFFE003, lr  }
0x1b: {  	s9 =	sadd.s32 $0xFFFFFEF7, lr;
	s5 =	simm.s32 $0xFFFFFFFF;
	p2 =	slt.u32 s8, $0xFFFFF086  }
0x1c: {  	p1 =	slt.u32 s9, $0xF7A;
	s5 =	simm.s32 @!p2 $0x0  }
0x1d: {  	s5 =	simm.s32 @p1 $0x1;
	p0 =	seq.s32 s7, s2  }
0x1e: {  	s7 =	smul.u32 @!p0 $0xF7A, s2;
	p2 =	seq.s32 @!p0 s5, $0x0  }
0x1f: {  	s9 =	smul.u32 $0xF7A, s1;
	s8 =	simm.s32 @!p0 $0x1BF5;
	p2 =	por !p2, p0  }
0x20: {  	[sflag:s8] =	ssyncset.s32 @!p0 $0xFFFFF086;
	s6 =	sadd.s32 @!p0 s3, s7;
	s7 =	simm.s32 @!p0 $0x108  }
0x21: {  	s3 =	sadd.s32 s3, s9;
	s6 =	sadd.s32 @!p0 $0x88, s6;
	s7 =	simm.s32 @p2 $0x1082  }
0x22: {  	[simem:s7], [sflag:s8] =	dma.local @!p0 [hbm:s6], $0xF7A  }
0x23: {  	s9 =	sor.u32 $0xD0000000, s2;
	s6 =	simm.s32 $0x108;
	_ =	swait.ge @!p0 [sflag:s8], $0x0  }
0x24: {  	s3 =	sadd.s32 $0x88, s3;
	s6 =	simm.s32 @!p1 $0x1082;
	[sflag:s4] =	ssyncset.s32 $0xFFFFF086  }
0x25: {  	[simem:s6], [sflag:s4] =	dma.local [hbm:s3], $0xF7A  }
0x26: {  	[smem:$0x3F9E] =	sst s1;
	(tag) =	ssettag s2;
	_ =	strace s9  }
0x27: {  	s1 =	sld [smem:$0x3FAE]  }
0x28: {  	s2 =	sld [smem:$0x3FAF]  }
0x29: {  	s4 =	sld [smem:$0x3FB1]  }
0x2a: {  	p0 =	seq.s32 s5, $0x0;
	s5 =	sld [smem:$0x3FB2]  }
0x2b: {  	s6 =	sld [smem:$0x3FB3]  }
0x2c: {  	s7 =	sld [smem:$0x3FB4]  }
0x2d: {  	s3 =	simm.s32 $0x108;
	s8 =	sld [smem:$0x3FB5]  }
0x2e: {  	s3 =	simm.s32 @!p0 $0x1082;
	s9 =	sld [smem:$0x3FB6]  }
0x2f: {  	lr =	sadd.s32 s0, s3;
	s0 =	sld [smem:$0x3FAD]  }
0x30: {  	s3 =	sld [smem:$0x3FB0]  }
0x31: {  	[smem:$0x3FB9] =	sst s10  }
0x32: {  	s10 =	sld [smem:$0x3FB7];
	_ =	sdelay $0x3  }
0x33: {  	p0 =	seq.s32 s10, $0x1;
	s10 =	sld [smem:$0x3FB9];
	_ =	sdelay $0x3  }
0x34: {  	[smem:$0x3FB9] =	sst s10  }
0x35: {  	s10 =	sld [smem:$0x3FB8];
	_ =	sdelay $0x3  }
0x36: {  	p1 =	seq.s32 s10, $0x1;
	s10 =	sld [smem:$0x3FB9];
	_ =	sdelay $0x3  }
0x37: {  	[smem:$0x3FB9] =	sst s10  }
0x38: {  	s10 =	sld [smem:$0x3FBA]  }
0x39: {  	_ = 	snop;
	(pc) =	sbr.ind lr, $3  }
0x3a: {  	_ = 	snop  }
0x3b: {  	_ = 	snop  }
0x3c: {  	p2 =	seq.s32 s10, $0x1;
	s10 =	sld [smem:$0x3FB9]  }
0x3d: {  	_ =	shalt  }
0x3e: {  	_ =	shalt  }
0x3f: {  	_ =	shalt  }
0x40: {  	_ =	shalt  }
0x41: {  	_ =	shalt  }
0x42: {  	_ =	shalt  }
0x43: {  	_ =	shalt  }
0x44: {  	_ =	shalt  }
0x45: {  	_ =	shalt  }
0x46: {  	_ =	shalt  }
0x47: {  	_ =	shalt  }
0x48: {  	_ =	shalt  }
0x49: {  	_ =	shalt  }
0x4a: {  	_ =	shalt  }
0x4b: {  	_ =	shalt  }
0x4c: {  	_ =	shalt  }
0x4d: {  	_ =	shalt  }
0x4e: {  	_ =	shalt  }
0x4f: {  	_ =	shalt  }
0x50: {  	_ =	shalt  }
0x51: {  	_ =	shalt  }
0x52: {  	_ =	shalt  }
0x53: {  	_ =	shalt  }
0x54: {  	_ =	shalt  }
0x55: {  	_ =	shalt  }
0x56: {  	_ =	shalt  }
0x57: {  	_ =	shalt  }
0x58: {  	_ =	shalt  }
0x59: {  	_ =	shalt  }
0x5a: {  	_ =	shalt  }
0x5b: {  	_ =	shalt  }
0x5c: {  	_ =	shalt  }
0x5d: {  	_ =	shalt  }
0x5e: {  	_ =	shalt  }
0x5f: {  	_ =	shalt  }
0x60: {  	_ =	shalt  }
0x61: {  	_ =	shalt  }
0x62: {  	_ =	shalt  }
0x63: {  	_ =	shalt  }
0x64: {  	_ =	shalt  }
0x65: {  	_ =	shalt  }
0x66: {  	_ =	shalt  }
0x67: {  	_ =	shalt  }
0x68: {  	_ =	shalt  }
0x69: {  	_ =	shalt  }
0x6a: {  	_ =	shalt  }
0x6b: {  	_ =	shalt  }
0x6c: {  	_ =	shalt  }
0x6d: {  	_ =	shalt  }
0x6e: {  	_ =	shalt  }
0x6f: {  	_ =	shalt  }
0x70: {  	_ =	shalt  }
0x71: {  	_ =	shalt  }
0x72: {  	_ =	shalt  }
0x73: {  	_ =	shalt  }
0x74: {  	_ =	shalt  }
0x75: {  	_ =	shalt  }
0x76: {  	_ =	shalt  }
0x77: {  	_ =	shalt  }
0x78: {  	_ =	shalt  }
0x79: {  	_ =	shalt  }
0x7a: {  	_ =	shalt  }
0x7b: {  	_ =	shalt  }
0x7c: {  	_ =	shalt  }
0x7d: {  	_ =	shalt  }
0x7e: {  	_ =	shalt  }
0x7f: {  	_ =	shalt  }
0x80: {  	_ =	shalt  }
0x81: {  	_ =	shalt  }
0x82: {  	_ =	shalt  }
0x83: {  	_ =	shalt  }
0x84: {  	_ =	shalt  }
0x85: {  	_ =	shalt  }
0x86: {  	_ =	shalt  }
0x87: {  	_ =	shalt  }
.Lfunc_end0:
.L_simem_size_0:
called_computation_lowered:
.L_overlay_start_0:
0x88: {  	s2 =	sld [smem:$0x3FD9]  }
0x89: {  	s3 =	sld [smem:$0x3FFE];
	_ =	sdelay $0x1  }
0x8a: {  	s1 =	srdreg.scid  }
0x8b: {  	s0 =	sand.u32 $0x1, s1  }
0x8c: {  	s17 =	sshll.u32 s0, $0xA;
	s2 =	sadd.s32 s3, s2  }
0x8d: {  	s2 =	sadd.s32 s2, s17  }
0x8e: {  	[smem:$0x3FC5] =	sst s2  }
0x8f: {  	_ = 	snop  }
0x90: {  	s2 =	sld [smem:$0x3FC8]  }
0x91: {  	s18 =	sld [smem:$0x3FC7];
	(tm) =	ssettm $0x1  }
0x92: {  	s4 =	sld [smem:$0x3FFB];
	_ =	sdelay $0x3  }
0x93: {  	_ =	strace s4  }
0x94: {  	s4 =	sld [smem:$0x3FFC];
	_ =	sdelay $0x3  }
0x95: {  	_ =	strace s4  }
0x96: {  	s4 =	sld [smem:$0x3FFD];
	_ =	sdelay $0x3  }
0x97: {  	_ =	strace s4  }
0x98: {  	_ =	strace $0x8FFFFFFF  }
0x99: {  	s19 =	sld [smem:$0x3FDB];
	_ =	sdelay $0x1  }
0x9a: {  	s5 =	simm.s32 $_scs_section_size  }
0x9b: {  	s6 =	simm.s32 $_size__tile_overlayer_lowered;
	s7 =	simm.s32 $_tile_overlayer_lowered  }
0x9c: {  	s22 =	simm.s32 $0x1BFF;
	s21 =	sshll.u32 s7, $0x1;
	s4 =	sadd.s32 s5, s19  }
0x9d: {  	s8 =	simm.s32 $0x0;
	s20 =	sshll.u32 s6, $0x1;
	s6 =	sadd.s32 s21, s4  }
0x9e: {  	[timem:s8], [sflag:s22] =	dma.local [hbm:s6], s20  }
0x9f: {  	_ =	swait.ge [sflag:s22], s20  }
0xa0: {  	s5 =	ssub.s32 $0x0, s20;
	[sflag:s22] =	ssyncset.done $0x0  }
0xa1: {  	[sflag:s22] =	ssyncadd.s32 s5;
	_ =	sdelay $0x1  }
0xa2: {  	s23 =	simm.s32 $0x1B8B  }
0xa3: {  	_ =	swait.ge [sflag:s23], $0x1  }
0xa4: {  	[sflag:s23] =	ssyncset.done $0x0  }
0xa5: {  	s25 =	simm.s32 $0x1B8E;
	s24 =	sld [smem:$0x3FFE];
	[sflag:s23] =	ssyncadd.s32 $0xFFFFFFFF  }
0xa6: {  	s26 =	simm.s32 $execute0_lowered;
	[smem:$0x3FD2] =	sst s25  }
0xa7: {  	s6 =	sshll.u32 s26, $0x1;
	_ =	strace $0x80000046;
	[dreg:$0x1] =	wrdreg $0xFFFFFFFF  }
0xa8: {  	s28 =	simm.s32 $_size_execute0_lowered;
	s4 =	sadd.s32 s4, s6;
	[dreg:$0x0] =	wrdreg $0x0  }
0xa9: {  	s6 =	sshll.u32 s28, $0x1;
	[dreg:$0x2] =	wrdreg s4  }
0xaa: {  	[dreg:$0x3] =	wrdreg s6  }
0xab: {  	[dreg:$0x4] =	wrdreg $0xC0  }
0xac: {  	_ =	task [dreg:s8], $0x5FFFF  }
0xad: {  	[dreg:$0x1] =	wrdreg $0xFFFFFFFF  }
0xae: {  	[dreg:$0x0] =	wrdreg $0x60  }
0xaf: {  	[dreg:$0x2] =	wrdreg s24  }
0xb0: {  	[dreg:$0x3] =	wrdreg s2  }
0xb1: {  	[dreg:$0x4] =	wrdreg s18  }
0xb2: {  	[dreg:$0x5] =	wrdreg $0x9  }
0xb3: {  	_ =	task.clear_ibuf [dreg:s8], $0x6FFFF;
	_ =	strace $0x90000046  }
0xb4: {  	s29 =	simm.s32 $0x9;
	_ =	strace $0x80000048  }
0xb5: {  	_ =	swait.ge [sflag:s29], $0x1  }
0xb6: {  	[sflag:s29] =	ssyncadd.s32 $0xFFFFFFFF  }
0xb7: {  	_ =	strace $0x90000048  }
0xb8: {  	_ =	sfence  }
0xb9: {  	s30 =	sld [smem:$0x0];
	_ =	sdelay $0x2  }
0xba: {  	s31 =	sshll.u32 s1, $0xD;
	s1 =	sshrl.u32 s1, $0x2  }
0xbb: {  	s3 =	sand.u32 $0x4000, s31;
	s1 =	sadd.s32 s1, s30  }
0xbc: {  	s0 =	sor.u32 s3, s0;
	s1 =	sshll.u32 s1, $0x11  }
0xbd: {  	s0 =	sor.u32 s1, s0  }
0xbe: {  	s0 =	sadd.s32 $0x8F2B, s0  }
0xbf: {  	[sflag:s0] =	ssyncadd.remote.s32 $0x1  }
0xc0: {  	_ =	sfence.sel $0xFFFF  }
0xc1: {  	[dreg:$0x0] =	wrdreg $0xFFFFFFFF;
	(pc) =	sbr.abs _section_cstart, $3  }
0xc2: {  	[dreg:$0x1] =	wrdreg $0xFFFFFFFF  }
0xc3: {  	_ =	task.clear_ibuf [dreg:s8], $0x2FFFF;
	_ =	strace $0x9FFFFFFF  }
0xc4: {  	(tm) =	ssettm $0x7FFFFFFF  }
0xc5: {  	_ =	shalt  }
tec
execute0_lowered:
.L_overlay_start_1:
0x0: {  	(tag) =	ssettag $0x1  }
0x1: {  	s0 =	rddreg [dreg:$0x0]  }
0x2: {  	s1 =	rddreg [dreg:$0x1]  }
0x3: {  	s4 =	rddreg [dreg:$0x2];
	s3 =	srdreg.scid  }
0x4: {  	s11 =	stileid.u32;
	s2 =	simm.s32 $0x0;
	s13 =	simm.s32 $0x8400  }
0x5: {  	s14 =	simm.s32 $0x1;
	s15 =	simm.s32 $0x2;
	s17 =	simm.s32 $0x0  }
0x6: {  	s7 =	sand.u32 $0x1, s3;
	s22 =	sshll.u32 s11, $0x1;
	[smem:$0x7FF] =	sst s2  }
0x7: {  	s26 =	sshll.u32 s11, $0x11;
	s5 =	sor.u32 s7, s22;
	_ =	strace $0x80000047  }
0x8: {  	s6 =	ssub.s32 $0x2, s7;
	s29 =	sshll.u32 s7, $0x10;
	s3 =	sshll.u32 s5, $0x4  }
0x9: {  	s23 =	sshrl.u32 s6, $0x1;
	s9 =	sshll.u32 s5, $0x6;
	s24 =	sshll.u32 s5, $0x10  }
0xa: {  	s8 =	sadd.s32 s3, s0;
	s1 =	sadd.s32 s1, s9;
	s25 =	sadd.s32 s4, s9  }
.Ltmp0:
0xb: {  	s5 =	sadd.s32 s0, s24;
	[dreg:$0x4] =	wrdreg s1;
	(pc) =	sbr.rel .LBB2_1-.Ltmp0, $4  }
0xc: {  	s10 =	ssub.s32 s6, s23;
	[dreg:$0x5] =	wrdreg s25;
	s28 =	sadd.s32 $0x1000, s5  }
0xd: {  	s0 =	sadd.s32 s26, s0;
	s30 =	sadd.s32 $0x200000, s8;
	[dreg:$0x6] =	wrdreg s28  }
0xe: {  	s31 =	smax.u32 s10, $0x1;
	s0 =	sadd.s32 s29, s0;
	[dreg:$0x7] =	wrdreg s30  }
0xf: {  	v0 =	vlaneseq.u32;
	s10 =	simm.s32 $0x3;
	[dreg:$0x8] =	wrdreg s31;
	s9 =	sadd.s32 $0x2000, s0  }
.LBB2_4:
0x10: {  	v1 =	vsub.f32 $0.0e+00, v3;
	_ =	sdelay $0x1  }
0x11: {  	s0 =	rddreg [dreg:$0x7];
	s1 =	simm.s32 $0x10400;
	[tilespmem:$0x10400] =	vst v1  }
0x12: {  	[hbm4b:s0+s2] =	stream.linear.scatter [tilespmem:s1], [sflag:$0x3], $0x80, $0x38;
	[tilespmem:$0x10480] =	vst v63  }
0x13: {  	_ =	swait.ge [sflag:s10], $0x80  }
0x14: {  	s17 =	sadd.s32 $0x1, s17;
	s31 =	rddreg [dreg:$0x8]  }
0x15: {  	p0 =	sne.s32 s17, s31  }
.Ltmp1:
0x16: {  	_ = 	snop;
	(pc) =	sbr.rel @!p0 .LBB2_5-.Ltmp1, $3  }
0x17: {  	_ =	sdelay $0x1  }
0x18: {  	[sflag:s10] =	ssyncset.done $0x0  }
0x19: {  	[sflag:s10] =	ssyncadd.s32 $0xFFFFFF80  }
.LBB2_1:
0x1a: {  	s0 =	rddreg [dreg:$0x4]  }
0x1b: {  	[tilespmem:s2], [sflag:$0x3] =	stream.linear.gather [hbm4b:s0+s2], $0x200, $0x38;
	[tilespmem:$0x10480] =	vst v63  }
0x1c: {  	_ =	swait.ge [sflag:s10], $0x200  }
0x1d: {  	[sflag:s10] =	ssyncset.done $0x0  }
0x1e: {  	s1 =	simm.s32 $0x200;
	s29 =	rddreg [dreg:$0x5];
	[sflag:s10] =	ssyncadd.s32 $0xFFFFFE00  }
0x1f: {  	[tilespmem:s1], [sflag:$0x3] =	stream.linear.gather [hbm4b:s29+s2], $0x200, $0x38;
	[tilespmem:$0x10480] =	vst v63  }
0x20: {  	_ =	swait.ge [sflag:s10], $0x200  }
0x21: {  	[sflag:s10] =	ssyncset.done $0x0  }
0x22: {  	s30 =	simm.s32 $0x400;
	[sflag:s10] =	ssyncadd.s32 $0xFFFFFE00  }
0x23: {  	[tilespmem:s30], [sflag:$0x1] =	stream.linear.gather [hbm4b:s5+s2], $0x8000, $0x38;
	[tilespmem:$0x10480] =	vst v63  }
0x24: {  	s18 =	smov.u32 s9;
	s19 =	simm.s32 $0x0;
	s31 =	rddreg [dreg:$0x6]  }
0x25: {  	v3 =	vimm.f32 $0.0e+00;
	[tilespmem:s13], [sflag:$0x2] =	stream.linear.gather [hbm4b:s31+s2], $0x8000, $0x38;
	[tilespmem:$0x10480] =	vst v63  }
.LBB2_2:
0x26: {  	_ =	swait.ge [sflag:s14], $0x8000  }
0x27: {  	[sflag:s14] =	ssyncset.done $0x0  }
0x28: {  	s20 =	sshra.s32 s19, $0x2;
	[sflag:s14] =	ssyncadd.s32 $0xFFFF8000  }
0x29: {  	v4 =	vld [tilespmem:s20+$0x0];
	_ =	sdelay $0x4  }
0x2a: {  	(v2sf) =	vpush v4, $0x0;
	_ =	sdelay $0x2  }
0x2b: {  	(v2sf) =	vpush v4, $0x1;
	_ =	sdelay $0x2  }
0x2c: {  	(v2sf) =	vpush v4, $0x2;
	_ =	sdelay $0x1  }
0x2d: {  	(v2sf) =	vpush v4, $0x3;
	_ =	sdelay $0x1  }
0x2e: {  	(v2sf) =	vpush v4, $0x4  }
0x2f: {  	(v2sf) =	vpush v4, $0x5;
	_ =	sdelay $0x1  }
0x30: {  	(v2sf) =	vpush v4, $0x6;
	_ =	sdelay $0x1  }
0x31: {  	(v2sf) =	vpush v4, $0x7;
	s0 =	spop (v2sf)  }
0x32: {  	s1 =	sshll.u32 s0, $0x3  }
0x33: {  	(v2sf) =	vpush v4, $0x8;
	s11 =	sand.u32 $0x70, s0;
	s1 =	sand.u32 $0xFFFFFC00, s1  }
0x34: {  	v1 =	vld [tilespmem:s20+$0x200];
	(v2sf) =	vpush v4, $0x9;
	s12 =	spop (v2sf);
	s1 =	sor.u32 s11, s1  }
0x35: {  	s22 =	sshll.u32 s12, $0x3;
	v2 =	vld [tilespmem:s1+$0x400]  }
0x36: {  	(v2sf) =	vpush v4, $0xA;
	s23 =	sand.u32 $0x70, s12;
	s1 =	sand.u32 $0xFFFFFC00, s22  }
0x37: {  	(v2sf) =	vpush v4, $0xB;
	s0 =	sand.u32 $0xF, s0;
	s24 =	spop (v2sf);
	s1 =	sor.u32 s23, s1  }
0x38: {  	(v2sf) =	vpush v4, $0xC;
	v5 =	vmov s0;
	s25 =	sshll.u32 s24, $0x3;
	v6 =	vld [tilespmem:s1+$0x480]  }
0x39: {  	vm0 =	veq.s32 v5, v0;
	v5 =	vbroadcast v1, $0x0;
	s26 =	sand.u32 $0x70, s24;
	s28 =	spop (v2sf);
	s0 =	sand.u32 $0xFFFFFC00, s25  }
0x3a: {  	s12 =	sand.u32 $0xF, s12;
	s29 =	sshll.u32 s28, $0x3;
	s0 =	sor.u32 s26, s0;
	v2 =	vnsel vm0, $0x0, v2  }
0x3b: {  	s16 =	spop (v2sf);
	s30 =	sand.u32 $0x70, s28;
	v7 =	vld [tilespmem:s0+$0x500];
	s0 =	sand.u32 $0xFFFFFC00, s29;
	v5 =	vmul.f32 v2, v5;
	v2 =	vmov s12  }
0x3c: {  	p0 =	seq.s32 s19, $0x700;
	v8 =	vbroadcast v1, $0x1;
	s21 =	spop (v2sf);
	(v2sf) =	vpush v4, $0xD;
	s0 =	sor.u32 s30, s0;
	vm13 =	veq.s32 v2, v0  }
0x3d: {  	s11 =	sand.u32 $0xF, s24;
	s25 =	sand.u32 $0xF, s28;
	s26 =	sshll.u32 s16, $0x3;
	(v2sf) =	vpush v4, $0xE;
	v23 =	vld [tilespmem:s0+$0x580];
	v6 =	vnsel vm13, $0x0, v6  }
0x3e: {  	v22 =	vmov s11;
	s23 =	sand.u32 $0xF, s16;
	s16 =	sand.u32 $0x70, s16;
	s31 =	spop (v2sf);
	v3 =	vadd.f32 v5, v3;
	v5 =	vmul.f32 v6, v8  }
0x3f: {  	v24 =	vbroadcast v1, $0x2;
	vm14 =	veq.s32 v22, v0;
	s1 =	sand.u32 $0xFFFFFC00, s26;
	s6 =	sshll.u32 s21, $0x3;
	s7 =	sand.u32 $0x70, s21;
	(v2sf) =	vpush v4, $0xF;
	v2 =	vld [tilespmem:s20+$0x10]  }
0x40: {  	s21 =	sand.u32 $0xF, s21;
	s22 =	spop (v2sf);
	s4 =	sor.u32 s16, s1;
	v4 =	vnsel vm14, $0x0, v7;
	v3 =	vadd.f32 v3, v5;
	v5 =	vmov s25  }
0x41: {  	s1 =	sand.u32 $0xFFFFFC00, s6;
	s8 =	sand.u32 $0xF, s31;
	s3 =	sand.u32 $0x70, s31;
	v25 =	vld [tilespmem:s4+$0x600];
	v4 =	vmul.f32 v4, v24;
	vm15 =	veq.s32 v5, v0;
	v5 =	vbroadcast v1, $0x3  }
0x42: {  	s28 =	spop (v2sf);
	s0 =	sor.u32 s7, s1;
	s4 =	sand.u32 $0x70, s22;
	v26 =	vnsel vm15, $0x0, v23  }
0x43: {  	v27 =	vmov s23;
	s6 =	sand.u32 $0xF, s22;
	s16 =	spop (v2sf);
	s12 =	sshll.u32 s31, $0x3;
	v3 =	vadd.f32 v3, v4;
	v4 =	vmul.f32 v26, v5;
	v5 =	vld [tilespmem:s0+$0x680]  }
0x44: {  	vm4 =	veq.s32 v27, v0;
	v28 =	vmov s21;
	s30 =	sshll.u32 s28, $0x3;
	s11 =	sand.u32 $0x70, s28;
	s12 =	sand.u32 $0xFFFFFC00, s12;
	(v2sf) =	vpush v2, $0x0  }
0x45: {  	s24 =	spop (v2sf);
	s21 =	sand.u32 $0xFFFFFC00, s30;
	(v2sf) =	vpush v2, $0x1;
	s0 =	sor.u32 s3, s12;
	v3 =	vadd.f32 v3, v4;
	v4 =	vbroadcast v1, $0x4  }
0x46: {  	v30 =	vbroadcast v1, $0x5;
	s7 =	sshll.u32 s16, $0x3;
	s31 =	spop (v2sf);
	v6 =	vnsel vm4, $0x0, v25;
	s25 =	sshll.u32 s22, $0x3;
	(v2sf) =	vpush v2, $0x2;
	v29 =	vld [tilespmem:s0+$0x700]  }
0x47: {  	vm5 =	veq.s32 v28, v0;
	s25 =	sand.u32 $0xFFFFFC00, s25;
	s0 =	sand.u32 $0xF, s28;
	s28 =	spop (v2sf);
	(v2sf) =	vpush v2, $0x3;
	v4 =	vmul.f32 v6, v4  }
0x48: {  	s26 =	sand.u32 $0x70, s16;
	s1 =	sand.u32 $0xF, s31;
	s29 =	sor.u32 s4, s25;
	v5 =	vnsel vm5, $0x0, v5  }
0x49: {  	s23 =	sand.u32 $0x70, s31;
	s25 =	sand.u32 $0xFFFFFC00, s7;
	v31 =	vld [tilespmem:s29+$0x780];
	s3 =	sshll.u32 s24, $0x3;
	v3 =	vadd.f32 v3, v4;
	v4 =	vmul.f32 v5, v30;
	v5 =	vmov s8  }
0x4a: {  	s7 =	sshll.u32 s31, $0x3;
	s25 =	sor.u32 s26, s25;
	s22 =	sand.u32 $0xFFFFFC00, s3;
	(v2sf) =	vpush v2, $0x4;
	vm6 =	veq.s32 v5, v0;
	v5 =	vbroadcast v1, $0x6  }
0x4b: {  	s4 =	spop (v2sf);
	s29 =	sshll.u32 s28, $0x3;
	(v2sf) =	vpush v2, $0x5;
	s8 =	sor.u32 s11, s21;
	v32 =	vnsel vm6, $0x0, v29  }
0x4c: {  	s26 =	spop (v2sf);
	s31 =	sand.u32 $0xFFFFFC00, s29;
	s3 =	sshll.u32 s4, $0x3;
	v33 =	vld [tilespmem:s8+$0x2400];
	v3 =	vadd.f32 v3, v4;
	v4 =	vmul.f32 v32, v5;
	v5 =	vmov s6  }
0x4d: {  	v34 =	vld [tilespmem:s25+$0x2480];
	s29 =	sand.u32 $0xF, s4;
	s4 =	sand.u32 $0x70, s4;
	(v2sf) =	vpush v2, $0x6;
	s25 =	sand.u32 $0xF, s26;
	vm7 =	veq.s32 v5, v0;
	v5 =	vbroadcast v1, $0x7  }
0x4e: {  	s11 =	sand.u32 $0xF, s16;
	s21 =	sand.u32 $0xF, s24;
	s24 =	sand.u32 $0x70, s24;
	v3 =	vadd.f32 v3, v4;
	v4 =	vnsel vm7, $0x0, v31  }
0x4f: {  	s8 =	sand.u32 $0x70, s28;
	s6 =	sor.u32 s24, s22;
	s22 =	sand.u32 $0xFFFFFC00, s7;
	v4 =	vmul.f32 v4, v5;
	v5 =	vmov s0  }
0x50: {  	s24 =	spop (v2sf);
	s7 =	sand.u32 $0x70, s26;
	s23 =	sor.u32 s23, s22;
	vm8 =	veq.s32 v5, v0;
	v5 =	vbroadcast v1, $0x8  }
0x51: {  	(v2sf) =	vpush v2, $0x7;
	s22 =	sand.u32 $0xF, s28;
	s28 =	sor.u32 s8, s31;
	s8 =	sshll.u32 s24, $0x3;
	v7 =	vnsel vm8, $0x0, v33  }
0x52: {  	v35 =	vmov s11;
	s11 =	sand.u32 $0x70, s24;
	s16 =	sand.u32 $0xFFFFFC00, s8;
	s0 =	sand.u32 $0xFFFFFC00, s3;
	v3 =	vadd.f32 v3, v4;
	v4 =	vmul.f32 v7, v5;
	v5 =	vld [tilespmem:s6+$0x2500]  }
0x53: {  	vm9 =	veq.s32 v35, v0;
	s11 =	sor.u32 s11, s16;
	s30 =	spop (v2sf);
	s3 =	sor.u32 s4, s0  }
0x54: {  	s31 =	spop (v2sf);
	(v2sf) =	vpush v2, $0x8;
	s6 =	sshll.u32 s26, $0x3;
	s26 =	sand.u32 $0xF, s24;
	v3 =	vadd.f32 v3, v4;
	v4 =	vbroadcast v1, $0x9  }
0x55: {  	v36 =	vmov s21;
	v6 =	vnsel vm9, $0x0, v34;
	v37 =	vld [tilespmem:s23+$0x2580];
	s21 =	spop (v2sf);
	(v2sf) =	vpush v2, $0x9;
	s8 =	sshll.u32 s31, $0x3;
	s12 =	sand.u32 $0x70, s31  }
0x56: {  	v38 =	vbroadcast v1, $0xA;
	vm10 =	veq.s32 v36, v0;
	s0 =	sand.u32 $0xFFFFFC00, s6;
	s6 =	sand.u32 $0x70, s30;
	s24 =	spop (v2sf);
	v4 =	vmul.f32 v6, v4  }
0x57: {  	(v2sf) =	vpush v2, $0xA;
	s4 =	sor.u32 s7, s0;
	s0 =	sand.u32 $0xF, s30;
	s7 =	sshll.u32 s30, $0x3;
	v5 =	vnsel vm10, $0x0, v5  }
0x58: {  	s30 =	sand.u32 $0xF, s31;
	s31 =	sand.u32 $0x70, s21;
	s16 =	sand.u32 $0xFFFFFC00, s7;
	v3 =	vadd.f32 v3, v4;
	v4 =	vmul.f32 v5, v38;
	v5 =	vmov s1  }
0x59: {  	(v2sf) =	vpush v2, $0xB;
	s7 =	sshll.u32 s21, $0x3;
	s16 =	sor.u32 s6, s16;
	s6 =	sand.u32 $0xFFFFFC00, s8;
	vm11 =	veq.s32 v5, v0;
	v5 =	vbroadcast v1, $0xB  }
0x5a: {  	v40 =	vld [tilespmem:s28+$0x2600];
	(v2sf) =	vpush v2, $0xC;
	s8 =	sshll.u32 s24, $0x3;
	s12 =	sor.u32 s12, s6;
	s6 =	spop (v2sf);
	v39 =	vnsel vm11, $0x0, v37  }
0x5b: {  	s28 =	sand.u32 $0xFFFFFC00, s7;
	s7 =	sand.u32 $0xFFFFFC00, s8;
	s23 =	spop (v2sf);
	v3 =	vadd.f32 v3, v4;
	v4 =	vmul.f32 v39, v5  }
0x5c: {  	s8 =	sor.u32 s31, s28;
	s1 =	sand.u32 $0xF, s21;
	s21 =	spop (v2sf);
	(v2sf) =	vpush v2, $0xD;
	v5 =	vld [tilespmem:s3+$0x2680]  }
0x5d: {  	v42 =	vmov s29;
	s31 =	sand.u32 $0xF, s24;
	s28 =	sand.u32 $0xF, s6;
	s29 =	sshll.u32 s6, $0x3;
	v3 =	vadd.f32 v3, v4;
	v4 =	vmov s22  }
0x5e: {  	v43 =	vld [tilespmem:s4+$0x2700];
	s4 =	sand.u32 $0xFFFFFC00, s29;
	s29 =	sand.u32 $0x70, s23;
	(v2sf) =	vpush v2, $0xE;
	s3 =	sand.u32 $0x70, s24;
	vm12 =	veq.s32 v4, v0;
	v4 =	vbroadcast v1, $0xC  }
0x5f: {  	(v2sf) =	vpush v2, $0xF;
	s3 =	sor.u32 s3, s7;
	s7 =	sand.u32 $0x70, s6;
	s6 =	sshll.u32 s23, $0x3;
	v41 =	vnsel vm12, $0x0, v40  }
0x60: {  	vm13 =	veq.s32 v42, v0;
	v44 =	vld [tilespmem:s11+$0x2780];
	s11 =	sshll.u32 s21, $0x3;
	s24 =	spop (v2sf);
	s6 =	sand.u32 $0xFFFFFC00, s6;
	v2 =	vmul.f32 v41, v4;
	v4 =	vbroadcast v1, $0xD  }
0x61: {  	v45 =	vld [tilespmem:s16+$0x4400];
	s16 =	sand.u32 $0x70, s24;
	s6 =	sor.u32 s29, s6;
	s29 =	sshll.u32 s24, $0x3;
	v5 =	vnsel vm13, $0x0, v5  }
0x62: {  	s4 =	sor.u32 s7, s4;
	s7 =	sand.u32 $0xFFFFFC00, s11;
	s29 =	sand.u32 $0xFFFFFC00, s29;
	v3 =	vadd.f32 v3, v2;
	v4 =	vmul.f32 v5, v4;
	v5 =	vmov s25  }
0x63: {  	s22 =	spop (v2sf);
	s11 =	sor.u32 s16, s29;
	v2 =	vld [tilespmem:s20+$0x210];
	s25 =	sand.u32 $0x70, s21;
	vm14 =	veq.s32 v5, v0;
	v5 =	vbroadcast v1, $0xE  }
0x64: {  	v46 =	vmov s26;
	v9 =	vld [tilespmem:s12+$0x4480];
	s16 =	sshll.u32 s22, $0x3;
	s7 =	sor.u32 s25, s7;
	s25 =	spop (v2sf);
	v3 =	vadd.f32 v3, v4;
	v4 =	vnsel vm14, $0x0, v43  }
0x65: {  	vm15 =	veq.s32 v46, v0;
	v47 =	vld [tilespmem:s3+$0x4580];
	s12 =	sand.u32 $0xFFFFFC00, s16;
	v1 =	vbroadcast v1, $0xF;
	s26 =	sshll.u32 s25, $0x3;
	s29 =	sand.u32 $0x70, s25;
	v4 =	vmul.f32 v4, v5  }
0x66: {  	v6 =	vnsel vm15, $0x0, v44;
	v5 =	vld [tilespmem:s8+$0x4500];
	s8 =	sand.u32 $0x70, s22;
	s16 =	sand.u32 $0xFFFFFC00, s26;
	s26 =	spop (v2sf)  }
0x67: {  	v10 =	vmov s0;
	v49 =	vld [tilespmem:s6+$0x4680];
	v1 =	vmul.f32 v6, v1;
	s0 =	sor.u32 s8, s12;
	s3 =	sor.u32 s29, s16;
	s12 =	sshll.u32 s26, $0x3;
	v3 =	vadd.f32 v3, v4  }
0x68: {  	vm4 =	veq.s32 v10, v0;
	s16 =	sand.u32 $0x70, s26;
	s29 =	spop (v2sf);
	v4 =	vld [tilespmem:s4+$0x4600];
	v48 =	vbroadcast v2, $0x0;
	s4 =	sand.u32 $0xFFFFFC00, s12  }
0x69: {  	v50 =	vmov s30;
	v52 =	vld [tilespmem:s11+$0x4780];
	s8 =	sshll.u32 s29, $0x3;
	s30 =	spop (v2sf);
	s11 =	sand.u32 $0x70, s29;
	v1 =	vadd.f32 v3, v1;
	v3 =	vnsel vm4, $0x0, v45  }
0x6a: {  	vm5 =	veq.s32 v50, v0;
	v11 =	vld [tilespmem:s7+$0x4700];
	v51 =	vbroadcast v2, $0x1;
	s4 =	sor.u32 s16, s4;
	s6 =	sand.u32 $0xFFFFFC00, s8;
	s12 =	sshll.u32 s30, $0x3;
	v3 =	vmul.f32 v3, v48  }
0x6b: {  	v9 =	vnsel vm5, $0x0, v9;
	v12 =	vld [tilespmem:s0+$0x6400];
	s16 =	sand.u32 $0x70, s30;
	s0 =	spop (v2sf);
	s8 =	sand.u32 $0xFFFFFC00, s12  }
0x6c: {  	v13 =	vmov s1;
	v14 =	vld [tilespmem:s3+$0x6480];
	s7 =	sor.u32 s11, s6;
	s11 =	sshll.u32 s0, $0x3;
	s12 =	sand.u32 $0x70, s0;
	v1 =	vadd.f32 v3, v1;
	v3 =	vmul.f32 v9, v51  }
0x6d: {  	vm6 =	veq.s32 v13, v0;
	v53 =	vbroadcast v2, $0x2;
	v54 =	vld [tilespmem:s4+$0x6500];
	s1 =	spop (v2sf);
	s6 =	sor.u32 s16, s8;
	s16 =	sand.u32 $0xFFFFFC00, s11  }
0x6e: {  	v55 =	vld [tilespmem:s7+$0x6580];
	s11 =	sshll.u32 s1, $0x3;
	s8 =	sor.u32 s12, s16;
	v1 =	vadd.f32 v1, v3;
	v3 =	vnsel vm6, $0x0, v5;
	v5 =	vmov s31;
	s31 =	spop (v2sf)  }
0x6f: {  	v56 =	vld [tilespmem:s6+$0x6600];
	s12 =	sand.u32 $0x70, s1;
	s4 =	sand.u32 $0xFFFFFC00, s11;
	v3 =	vmul.f32 v3, v53;
	vm7 =	veq.s32 v5, v0;
	v5 =	vbroadcast v2, $0x3;
	s16 =	sshll.u32 s31, $0x3  }
0x70: {  	v15 =	vld [tilespmem:s8+$0x6680];
	s8 =	sor.u32 s12, s4;
	s11 =	sand.u32 $0x70, s31;
	v8 =	vnsel vm7, $0x0, v47;
	s12 =	sand.u32 $0xFFFFFC00, s16  }
0x71: {  	v16 =	vmov s28;
	s3 =	simm.s32 @!p0 $0x0;
	s6 =	simm.s32 @!p0 $0x400;
	v17 =	vld [tilespmem:s8+$0x6700];
	v1 =	vadd.f32 v1, v3;
	v3 =	vmul.f32 v8, v5;
	s16 =	sor.u32 s11, s12  }
0x72: {  	vm8 =	veq.s32 v16, v0;
	v5 =	vbroadcast v2, $0x4;
	v57 =	vld [tilespmem:s16+$0x6780];
	[tilespmem:s6], [sflag:$0x1] =	stream.linear.gather @!p0 [hbm4b:s18+s3], $0x8000, $0x38  }
0x73: {  	s28 =	sand.u32 $0xF, s23;
	v1 =	vadd.f32 v1, v3;
	v3 =	vnsel vm8, $0x0, v4;
	_ =	swait.ge [sflag:s15], $0x8000  }
0x74: {  	v58 =	vmov s28;
	v3 =	vmul.f32 v3, v5;
	[sflag:s15] =	ssyncset.done $0x0  }
0x75: {  	vm9 =	veq.s32 v58, v0;
	v4 =	vbroadcast v2, $0x5;
	[sflag:s15] =	ssyncadd.s32 $0xFFFF8000  }
0x76: {  	s7 =	sand.u32 $0xF, s21;
	s8 =	sand.u32 $0xF, s24;
	v5 =	vnsel vm9, $0x0, v49;
	v1 =	vadd.f32 v1, v3;
	v3 =	vld [tilespmem:s20+$0x20]  }
0x77: {  	v59 =	vmov s7;
	v60 =	vmov s8;
	v4 =	vmul.f32 v5, v4  }
0x78: {  	vm10 =	veq.s32 v59, v0;
	vm11 =	veq.s32 v60, v0;
	v5 =	vbroadcast v2, $0x6  }
0x79: {  	v7 =	vnsel vm11, $0x0, v52;
	s11 =	sand.u32 $0xF, s22;
	v1 =	vadd.f32 v1, v4;
	v4 =	vnsel vm10, $0x0, v11  }
0x7a: {  	s12 =	sand.u32 $0xF, s25;
	v61 =	vmov s11;
	v4 =	vmul.f32 v4, v5;
	v5 =	vbroadcast v2, $0x7  }
0x7b: {  	v63 =	vmov s12;
	vm12 =	veq.s32 v61, v0;
	(v2sf) =	vpush v3, $0x0  }
0x7c: {  	v1 =	vadd.f32 v1, v4;
	v4 =	vmul.f32 v7, v5;
	v5 =	vbroadcast v2, $0x8  }
0x7d: {  	vm13 =	veq.s32 v63, v0;
	v62 =	vnsel vm12, $0x0, v12;
	(v2sf) =	vpush v3, $0x1  }
0x7e: {  	v1 =	vadd.f32 v1, v4;
	v4 =	vmul.f32 v62, v5;
	v5 =	vbroadcast v2, $0x9  }
0x7f: {  	s16 =	sand.u32 $0xF, s26;
	v10 =	vnsel vm13, $0x0, v14  }
0x80: {  	v1 =	vadd.f32 v1, v4;
	v4 =	vmul.f32 v10, v5;
	v5 =	vmov s16  }
0x81: {  	(v2sf) =	vpush v3, $0x2;
	vm14 =	veq.s32 v5, v0;
	v5 =	vbroadcast v2, $0xA  }
0x82: {  	v11 =	vnsel vm14, $0x0, v54  }
0x83: {  	s21 =	sand.u32 $0xF, s29;
	(v2sf) =	vpush v3, $0x3;
	v1 =	vadd.f32 v1, v4;
	v4 =	vmul.f32 v11, v5  }
0x84: {  	v5 =	vmov s21  }
0x85: {  	s22 =	sand.u32 $0xF, s30;
	vm15 =	veq.s32 v5, v0;
	v1 =	vadd.f32 v1, v4;
	v4 =	vbroadcast v2, $0xB  }
0x86: {  	v12 =	vmov s22;
	(v2sf) =	vpush v3, $0x4;
	v5 =	vnsel vm15, $0x0, v55  }
0x87: {  	vm4 =	veq.s32 v12, v0;
	v4 =	vmul.f32 v5, v4;
	v5 =	vbroadcast v2, $0xC  }
0x88: {  	s0 =	sand.u32 $0xF, s0;
	v6 =	vnsel vm4, $0x0, v56;
	(v2sf) =	vpush v3, $0x5  }
0x89: {  	v1 =	vadd.f32 v1, v4;
	v4 =	vmul.f32 v6, v5;
	v5 =	vmov s0  }
0x8a: {  	(v2sf) =	vpush v3, $0x6;
	vm5 =	veq.s32 v5, v0;
	v5 =	vbroadcast v2, $0xD;
	s23 =	spop (v2sf)  }
0x8b: {  	s1 =	sand.u32 $0xF, s1;
	v4 =	vadd.f32 v1, v4;
	v1 =	vnsel vm5, $0x0, v15;
	s24 =	sshll.u32 s23, $0x3  }
0x8c: {  	(v2sf) =	vpush v3, $0x7;
	v5 =	vmul.f32 v1, v5;
	v1 =	vmov s1;
	s25 =	sand.u32 $0x70, s23;
	s3 =	sand.u32 $0xFFFFFC00, s24  }
0x8d: {  	v13 =	vbroadcast v2, $0xE;
	s28 =	sand.u32 $0xF, s31;
	s26 =	spop (v2sf);
	vm6 =	veq.s32 v1, v0;
	v1 =	vld [tilespmem:s20+$0x220];
	s1 =	sor.u32 s25, s3  }
0x8e: {  	v14 =	vmov s28;
	s29 =	sshll.u32 s26, $0x3;
	v4 =	vadd.f32 v4, v5;
	v5 =	vnsel vm6, $0x0, v17;
	v15 =	vld [tilespmem:s1+$0x8400]  }
0x8f: {  	vm7 =	veq.s32 v14, v0;
	v2 =	vbroadcast v2, $0xF;
	s30 =	sand.u32 $0x70, s26;
	v5 =	vmul.f32 v5, v13;
	s1 =	sand.u32 $0xFFFFFC00, s29  }
0x90: {  	v16 =	vnsel vm7, $0x0, v57;
	s0 =	sand.u32 $0xF, s23;
	s31 =	spop (v2sf);
	(v2sf) =	vpush v3, $0x8;
	s1 =	sor.u32 s30, s1  }
0x91: {  	v2 =	vmul.f32 v16, v2;
	v4 =	vadd.f32 v4, v5;
	v5 =	vmov s0;
	v17 =	vld [tilespmem:s1+$0x8480];
	s1 =	sshll.u32 s31, $0x3  }
0x92: {  	s6 =	sand.u32 $0x70, s31;
	s7 =	spop (v2sf);
	(v2sf) =	vpush v3, $0x9;
	vm8 =	veq.s32 v5, v0;
	v5 =	vbroadcast v1, $0x0;
	s0 =	sand.u32 $0xFFFFFC00, s1  }
0x93: {  	s4 =	sand.u32 $0xF, s26;
	s8 =	sshll.u32 s7, $0x3;
	s0 =	sor.u32 s6, s0;
	v18 =	vnsel vm8, $0x0, v15  }
0x94: {  	s11 =	sand.u32 $0x70, s7;
	s1 =	sand.u32 $0xFFFFFC00, s8;
	v2 =	vadd.f32 v4, v2;
	v19 =	vld [tilespmem:s0+$0x8500];
	v4 =	vmul.f32 v18, v5;
	v5 =	vmov s4  }
0x95: {  	s12 =	spop (v2sf);
	(v2sf) =	vpush v3, $0xA;
	s0 =	sor.u32 s11, s1;
	vm9 =	veq.s32 v5, v0;
	v5 =	vbroadcast v1, $0x1  }
0x96: {  	s3 =	sand.u32 $0xF, s31;
	s16 =	sshll.u32 s12, $0x3;
	v20 =	vld [tilespmem:s0+$0x8580];
	v6 =	vnsel vm9, $0x0, v17  }
0x97: {  	s21 =	sand.u32 $0x70, s12;
	s22 =	spop (v2sf);
	s0 =	sand.u32 $0xFFFFFC00, s16;
	v2 =	vadd.f32 v4, v2;
	v4 =	vmul.f32 v6, v5;
	v5 =	vmov s3  }
0x98: {  	(v2sf) =	vpush v3, $0xB;
	s23 =	sshll.u32 s22, $0x3;
	s6 =	sand.u32 $0xF, s7;
	s0 =	sor.u32 s21, s0;
	vm10 =	veq.s32 v5, v0;
	v5 =	vbroadcast v1, $0x2  }
0x99: {  	s24 =	sand.u32 $0x70, s22;
	s25 =	spop (v2sf);
	v21 =	vmov s6;
	v22 =	vld [tilespmem:s0+$0x8600];
	s3 =	sand.u32 $0xFFFFFC00, s23;
	v2 =	vadd.f32 v2, v4;
	v4 =	vnsel vm10, $0x0, v19  }
0x9a: {  	s26 =	sshll.u32 s25, $0x3;
	vm11 =	veq.s32 v21, v0;
	s0 =	sor.u32 s24, s3;
	v4 =	vmul.f32 v4, v5;
	v5 =	vbroadcast v1, $0x3  }
0x9b: {  	(v2sf) =	vpush v3, $0xC;
	s29 =	sand.u32 $0x70, s25;
	s1 =	sand.u32 $0xF, s12;
	v6 =	vnsel vm11, $0x0, v20;
	v23 =	vld [tilespmem:s0+$0x8680];
	s28 =	spop (v2sf)  }
0x9c: {  	s4 =	sand.u32 $0xF, s22;
	s0 =	sand.u32 $0xFFFFFC00, s26;
	s30 =	sshll.u32 s28, $0x3;
	v2 =	vadd.f32 v2, v4;
	v4 =	vmul.f32 v6, v5;
	v5 =	vmov s1  }
0x9d: {  	(v2sf) =	vpush v3, $0xD;
	s0 =	sor.u32 s29, s0;
	s31 =	sand.u32 $0x70, s28;
	s7 =	sand.u32 $0xFFFFFC00, s30;
	vm12 =	veq.s32 v5, v0;
	v5 =	vbroadcast v1, $0x4  }
0x9e: {  	v24 =	vmov s4;
	v25 =	vld [tilespmem:s0+$0x8700];
	s8 =	sor.u32 s31, s7;
	v4 =	vadd.f32 v2, v4;
	v2 =	vnsel vm12, $0x0, v22  }
0x9f: {  	v26 =	vbroadcast v1, $0x5;
	vm13 =	veq.s32 v24, v0;
	s11 =	spop (v2sf);
	v27 =	vld [tilespmem:s8+$0x8780];
	v5 =	vmul.f32 v2, v5  }
0xa0: {  	s12 =	sand.u32 $0xF, s25;
	(v2sf) =	vpush v3, $0xE;
	s16 =	sshll.u32 s11, $0x3;
	v8 =	vnsel vm13, $0x0, v23;
	v2 =	vld [tilespmem:s20+$0x30]  }
0xa1: {  	v28 =	vmov s12;
	s21 =	sand.u32 $0x70, s11;
	s22 =	spop (v2sf);
	s3 =	sand.u32 $0xFFFFFC00, s16;
	v4 =	vadd.f32 v4, v5;
	v5 =	vmul.f32 v8, v26  }
0xa2: {  	v29 =	vbroadcast v1, $0x6;
	vm14 =	veq.s32 v28, v0;
	s6 =	sand.u32 $0xF, s28;
	(v2sf) =	vpush v3, $0xF;
	s23 =	sshll.u32 s22, $0x3;
	s1 =	sor.u32 s21, s3  }
0xa3: {  	s24 =	sand.u32 $0x70, s22;
	s3 =	sand.u32 $0xFFFFFC00, s23;
	v30 =	vld [tilespmem:s1+$0xA400];
	v3 =	vadd.f32 v4, v5;
	v4 =	vnsel vm14, $0x0, v25;
	v5 =	vmov s6  }
0xa4: {  	s25 =	spop (v2sf);
	s1 =	sor.u32 s24, s3;
	v4 =	vmul.f32 v4, v29;
	vm15 =	veq.s32 v5, v0;
	v5 =	vbroadcast v1, $0x7  }
0xa5: {  	s0 =	sand.u32 $0xF, s11;
	s26 =	sshll.u32 s25, $0x3;
	v32 =	vld [tilespmem:s1+$0xA480];
	(v2sf) =	vpush v2, $0x0;
	v31 =	vnsel vm15, $0x0, v27  }
0xa6: {  	s28 =	sand.u32 $0x70, s25;
	s1 =	sand.u32 $0xFFFFFC00, s26;
	v3 =	vadd.f32 v3, v4;
	v4 =	vmul.f32 v31, v5;
	v5 =	vmov s0  }
0xa7: {  	s4 =	sand.u32 $0xF, s22;
	s29 =	spop (v2sf);
	(v2sf) =	vpush v2, $0x1;
	s0 =	sor.u32 s28, s1;
	vm4 =	veq.s32 v5, v0;
	v5 =	vbroadcast v1, $0x8  }
0xa8: {  	v33 =	vmov s4;
	s30 =	sshll.u32 s29, $0x3;
	v34 =	vld [tilespmem:s0+$0xA500];
	v3 =	vadd.f32 v3, v4;
	v4 =	vnsel vm4, $0x0, v30  }
0xa9: {  	vm5 =	veq.s32 v33, v0;
	s31 =	sand.u32 $0x70, s29;
	s0 =	sand.u32 $0xFFFFFC00, s30;
	v4 =	vmul.f32 v4, v5;
	v5 =	vbroadcast v1, $0x9  }
0xaa: {  	s3 =	sand.u32 $0xF, s25;
	s6 =	spop (v2sf);
	v6 =	vnsel vm5, $0x0, v32;
	(v2sf) =	vpush v2, $0x2;
	s0 =	sor.u32 s31, s0  }
0xab: {  	s7 =	sshll.u32 s6, $0x3;
	v35 =	vld [tilespmem:s0+$0xA580];
	v3 =	vadd.f32 v3, v4;
	v4 =	vmul.f32 v6, v5;
	v5 =	vmov s3  }
0xac: {  	s8 =	sand.u32 $0x70, s6;
	s11 =	spop (v2sf);
	(v2sf) =	vpush v2, $0x3;
	s0 =	sand.u32 $0xFFFFFC00, s7;
	vm6 =	veq.s32 v5, v0;
	v5 =	vbroadcast v1, $0xA  }
0xad: {  	s12 =	sshll.u32 s11, $0x3;
	s1 =	sand.u32 $0xF, s29;
	s0 =	sor.u32 s8, s0;
	v7 =	vnsel vm6, $0x0, v34  }
0xae: {  	s16 =	sand.u32 $0x70, s11;
	s21 =	sand.u32 $0xFFFFFC00, s12;
	v36 =	vld [tilespmem:s0+$0xA600];
	v3 =	vadd.f32 v3, v4;
	v4 =	vmul.f32 v7, v5;
	v5 =	vmov s1  }
0xaf: {  	(v2sf) =	vpush v2, $0x4;
	s22 =	spop (v2sf);
	s0 =	sor.u32 s16, s21;
	vm7 =	veq.s32 v5, v0;
	v5 =	vbroadcast v1, $0xB  }
0xb0: {  	s23 =	sand.u32 $0xF, s6;
	s24 =	sshll.u32 s22, $0x3;
	v37 =	vld [tilespmem:s0+$0xA680];
	v6 =	vnsel vm7, $0x0, v35  }
0xb1: {  	s25 =	sand.u32 $0x70, s22;
	s26 =	spop (v2sf);
	s0 =	sand.u32 $0xFFFFFC00, s24;
	v3 =	vadd.f32 v3, v4;
	v4 =	vmul.f32 v6, v5;
	v5 =	vmov s23  }
0xb2: {  	s6 =	sand.u32 $0xF, s11;
	(v2sf) =	vpush v2, $0x5;
	s28 =	sshll.u32 s26, $0x3;
	s0 =	sor.u32 s25, s0;
	vm8 =	veq.s32 v5, v0;
	v5 =	vbroadcast v1, $0xC  }
0xb3: {  	v38 =	vmov s6;
	s29 =	sand.u32 $0x70, s26;
	s3 =	sand.u32 $0xFFFFFC00, s28;
	v39 =	vld [tilespmem:s0+$0xA700];
	v3 =	vadd.f32 v3, v4;
	v4 =	vnsel vm8, $0x0, v36  }
0xb4: {  	vm9 =	veq.s32 v38, v0;
	s0 =	sor.u32 s29, s3;
	s30 =	spop (v2sf);
	v4 =	vmul.f32 v4, v5;
	v5 =	vbroadcast v1, $0xD  }
0xb5: {  	(v2sf) =	vpush v2, $0x6;
	s1 =	sand.u32 $0xF, s22;
	v40 =	vld [tilespmem:s0+$0xA780];
	v6 =	vnsel vm9, $0x0, v37;
	s31 =	sshll.u32 s30, $0x3  }
0xb6: {  	v41 =	vmov s1;
	s6 =	sand.u32 $0x70, s30;
	s7 =	spop (v2sf);
	s0 =	sand.u32 $0xFFFFFC00, s31;
	v4 =	vadd.f32 v3, v4;
	v5 =	vmul.f32 v6, v5  }
0xb7: {  	v42 =	vbroadcast v1, $0xE;
	(v2sf) =	vpush v2, $0x7;
	s4 =	sand.u32 $0xF, s26;
	vm10 =	veq.s32 v41, v0;
	s8 =	sshll.u32 s7, $0x3;
	v3 =	vld [tilespmem:s20+$0x230];
	s0 =	sor.u32 s6, s0  }
0xb8: {  	v43 =	vmov s4;
	s11 =	sand.u32 $0x70, s7;
	s1 =	sand.u32 $0xFFFFFC00, s8;
	v44 =	vld [tilespmem:s0+$0xC400];
	v4 =	vadd.f32 v4, v5;
	v5 =	vnsel vm10, $0x0, v39  }
0xb9: {  	vm11 =	veq.s32 v43, v0;
	v1 =	vbroadcast v1, $0xF;
	s12 =	spop (v2sf);
	s0 =	sor.u32 s11, s1;
	v5 =	vmul.f32 v5, v42  }
0xba: {  	v45 =	vnsel vm11, $0x0, v40;
	s3 =	sand.u32 $0xF, s30;
	(v2sf) =	vpush v2, $0x8;
	s16 =	sshll.u32 s12, $0x3;
	v46 =	vld [tilespmem:s0+$0xC480]  }
0xbb: {  	v1 =	vmul.f32 v45, v1;
	s20 =	sand.u32 $0x70, s12;
	s21 =	spop (v2sf);
	s0 =	sand.u32 $0xFFFFFC00, s16;
	v4 =	vadd.f32 v4, v5;
	v5 =	vmov s3  }
0xbc: {  	s6 =	sand.u32 $0xF, s7;
	(v2sf) =	vpush v2, $0x9;
	s22 =	sshll.u32 s21, $0x3;
	s0 =	sor.u32 s20, s0;
	vm12 =	veq.s32 v5, v0;
	v5 =	vbroadcast v3, $0x0  }
0xbd: {  	v47 =	vmov s6;
	s23 =	sand.u32 $0x70, s21;
	v48 =	vld [tilespmem:s0+$0xC500];
	s3 =	sand.u32 $0xFFFFFC00, s22;
	v1 =	vadd.f32 v4, v1;
	v4 =	vnsel vm12, $0x0, v44  }
0xbe: {  	s24 =	spop (v2sf);
	vm13 =	veq.s32 v47, v0;
	s0 =	sor.u32 s23, s3;
	v4 =	vmul.f32 v4, v5;
	v5 =	vbroadcast v3, $0x1  }
0xbf: {  	s1 =	sand.u32 $0xF, s12;
	(v2sf) =	vpush v2, $0xA;
	s25 =	sshll.u32 s24, $0x3;
	v6 =	vnsel vm13, $0x0, v46;
	v49 =	vld [tilespmem:s0+$0xC580]  }
0xc0: {  	s26 =	sand.u32 $0x70, s24;
	s0 =	sand.u32 $0xFFFFFC00, s25;
	v1 =	vadd.f32 v4, v1;
	v4 =	vmul.f32 v6, v5;
	v5 =	vmov s1  }
0xc1: {  	s4 =	sand.u32 $0xF, s21;
	s28 =	spop (v2sf);
	(v2sf) =	vpush v2, $0xB;
	s0 =	sor.u32 s26, s0;
	vm14 =	veq.s32 v5, v0;
	v5 =	vbroadcast v3, $0x2  }
0xc2: {  	v50 =	vmov s4;
	s29 =	sshll.u32 s28, $0x3;
	v51 =	vld [tilespmem:s0+$0xC600];
	v1 =	vadd.f32 v1, v4;
	v4 =	vnsel vm14, $0x0, v48  }
0xc3: {  	vm15 =	veq.s32 v50, v0;
	s30 =	sand.u32 $0x70, s28;
	s0 =	sand.u32 $0xFFFFFC00, s29;
	v4 =	vmul.f32 v4, v5;
	v5 =	vbroadcast v3, $0x3  }
0xc4: {  	s31 =	spop (v2sf);
	(v2sf) =	vpush v2, $0xC;
	s3 =	sand.u32 $0xF, s24;
	s0 =	sor.u32 s30, s0;
	v6 =	vnsel vm15, $0x0, v49  }
0xc5: {  	v52 =	vld [tilespmem:s0+$0xC680];
	v1 =	vadd.f32 v1, v4;
	v4 =	vmul.f32 v6, v5;
	v5 =	vmov s3;
	s3 =	sshll.u32 s31, $0x3  }
0xc6: {  	s6 =	sand.u32 $0x70, s31;
	s7 =	spop (v2sf);
	(v2sf) =	vpush v2, $0xD;
	vm4 =	veq.s32 v5, v0;
	v5 =	vbroadcast v3, $0x4;
	s0 =	sand.u32 $0xFFFFFC00, s3  }
0xc7: {  	s8 =	sshll.u32 s7, $0x3;
	s1 =	sand.u32 $0xF, s28;
	v53 =	vnsel vm4, $0x0, v51;
	s0 =	sor.u32 s6, s0  }
0xc8: {  	s11 =	sand.u32 $0x70, s7;
	s12 =	sand.u32 $0xFFFFFC00, s8;
	v1 =	vadd.f32 v1, v4;
	v4 =	vmul.f32 v53, v5;
	v5 =	vmov s1;
	v54 =	vld [tilespmem:s0+$0xC700]  }
0xc9: {  	s16 =	spop (v2sf);
	(v2sf) =	vpush v2, $0xE;
	s0 =	sor.u32 s11, s12;
	vm5 =	veq.s32 v5, v0;
	v5 =	vbroadcast v3, $0x5  }
0xca: {  	s20 =	sand.u32 $0xF, s31;
	s21 =	sshll.u32 s16, $0x3;
	v55 =	vld [tilespmem:s0+$0xC780];
	v1 =	vadd.f32 v1, v4;
	v4 =	vnsel vm5, $0x0, v52  }
0xcb: {  	s22 =	sand.u32 $0x70, s16;
	s23 =	spop (v2sf);
	(v2sf) =	vpush v2, $0xF;
	s0 =	sand.u32 $0xFFFFFC00, s21;
	v4 =	vmul.f32 v4, v5;
	v5 =	vmov s20  }
0xcc: {  	v2 =	vbroadcast v3, $0x6;
	s24 =	sshll.u32 s23, $0x3;
	s6 =	sand.u32 $0xF, s7;
	s0 =	sor.u32 s22, s0;
	vm6 =	veq.s32 v5, v0  }
0xcd: {  	s25 =	sand.u32 $0x70, s23;
	s3 =	sand.u32 $0xFFFFFC00, s24;
	v56 =	vld [tilespmem:s0+$0xE400];
	v5 =	vmov s6;
	v1 =	vadd.f32 v1, v4;
	v4 =	vnsel vm6, $0x0, v54  }
0xce: {  	s26 =	spop (v2sf);
	s0 =	sor.u32 s25, s3;
	vm7 =	veq.s32 v5, v0;
	v2 =	vmul.f32 v4, v2;
	v4 =	vbroadcast v3, $0x7  }
0xcf: {  	s28 =	sshll.u32 s26, $0x3;
	s1 =	sand.u32 $0xF, s16;
	v57 =	vld [tilespmem:s0+$0xE480];
	v5 =	vnsel vm7, $0x0, v55  }
0xd0: {  	s29 =	spop (v2sf);
	s30 =	sand.u32 $0x70, s26;
	s0 =	sand.u32 $0xFFFFFC00, s28;
	v1 =	vadd.f32 v1, v2;
	v2 =	vmul.f32 v5, v4;
	v4 =	vmov s1  }
0xd1: {  	s4 =	sand.u32 $0xF, s23;
	s31 =	sshll.u32 s29, $0x3;
	s0 =	sor.u32 s30, s0;
	vm8 =	veq.s32 v4, v0;
	v4 =	vbroadcast v3, $0x8  }
0xd2: {  	v58 =	vld [tilespmem:s0+$0xE500];
	v5 =	vmov s4;
	s4 =	sand.u32 $0x70, s29;
	s1 =	sand.u32 $0xFFFFFC00, s31;
	v1 =	vadd.f32 v1, v2;
	v2 =	vnsel vm8, $0x0, v56  }
0xd3: {  	s7 =	spop (v2sf);
	vm9 =	veq.s32 v5, v0;
	s0 =	sor.u32 s4, s1;
	v2 =	vmul.f32 v2, v4;
	v4 =	vbroadcast v3, $0x9  }
0xd4: {  	s8 =	sand.u32 $0xF, s26;
	s11 =	sshll.u32 s7, $0x3;
	v5 =	vnsel vm9, $0x0, v57;
	v59 =	vld [tilespmem:s0+$0xE580]  }
0xd5: {  	s12 =	spop (v2sf);
	s16 =	sand.u32 $0x70, s7;
	s0 =	sand.u32 $0xFFFFFC00, s11;
	v1 =	vadd.f32 v1, v2;
	v2 =	vmul.f32 v5, v4;
	v4 =	vmov s8  }
0xd6: {  	s3 =	sand.u32 $0xF, s29;
	s20 =	sshll.u32 s12, $0x3;
	s0 =	sor.u32 s16, s0;
	vm10 =	veq.s32 v4, v0;
	v4 =	vbroadcast v3, $0xA  }
0xd7: {  	s21 =	sand.u32 $0x70, s12;
	s1 =	sand.u32 $0xFFFFFC00, s20;
	v60 =	vld [tilespmem:s0+$0xE600];
	v5 =	vmov s3;
	v1 =	vadd.f32 v1, v2;
	v2 =	vnsel vm10, $0x0, v58  }
0xd8: {  	s22 =	spop (v2sf);
	s0 =	sor.u32 s21, s1;
	vm11 =	veq.s32 v5, v0;
	v2 =	vmul.f32 v2, v4;
	v4 =	vbroadcast v3, $0xB  }
0xd9: {  	s23 =	sand.u32 $0xF, s7;
	s24 =	sshll.u32 s22, $0x3;
	v61 =	vld [tilespmem:s0+$0xE680];
	v5 =	vnsel vm11, $0x0, v59  }
0xda: {  	s25 =	sand.u32 $0x70, s22;
	s26 =	spop (v2sf);
	s0 =	sand.u32 $0xFFFFFC00, s24;
	v1 =	vadd.f32 v1, v2;
	v2 =	vmul.f32 v5, v4;
	v4 =	vmov s23  }
0xdb: {  	s6 =	sand.u32 $0xF, s12;
	s28 =	sshll.u32 s26, $0x3;
	s0 =	sor.u32 s25, s0;
	vm12 =	veq.s32 v4, v0;
	v4 =	vbroadcast v3, $0xC  }
0xdc: {  	s29 =	sand.u32 $0x70, s26;
	s1 =	sand.u32 $0xFFFFFC00, s28;
	v62 =	vld [tilespmem:s0+$0xE700];
	v5 =	vmov s6;
	v1 =	vadd.f32 v1, v2;
	v2 =	vnsel vm12, $0x0, v60  }
0xdd: {  	s0 =	sor.u32 s29, s1;
	vm13 =	veq.s32 v5, v0;
	v2 =	vmul.f32 v2, v4;
	v4 =	vbroadcast v3, $0xD  }
0xde: {  	s30 =	sand.u32 $0xF, s22;
	v63 =	vld [tilespmem:s0+$0xE780];
	v5 =	vnsel vm13, $0x0, v61  }
0xdf: {  	v1 =	vadd.f32 v1, v2;
	v2 =	vmul.f32 v5, v4;
	v4 =	vmov s30  }
0xe0: {  	s31 =	sand.u32 $0xF, s26;
	vm14 =	veq.s32 v4, v0;
	v4 =	vbroadcast v3, $0xE  }
0xe1: {  	v5 =	vmov s31;
	v1 =	vadd.f32 v1, v2;
	v2 =	vnsel vm14, $0x0, v62  }
0xe2: {  	vm15 =	veq.s32 v5, v0;
	v3 =	vbroadcast v3, $0xF;
	v2 =	vmul.f32 v2, v4  }
.Ltmp2:
0xe3: {  	v4 =	vnsel vm15, $0x0, v63;
	(pc) =	sbr.rel @p0 .LBB2_4-.Ltmp2, $2  }
0xe4: {  	v1 =	vadd.f32 v1, v2;
	v2 =	vmul.f32 v4, v3;
	_ =	sdelay $0x1  }
0xe5: {  	v3 =	vadd.f32 v1, v2;
	_ =	sdelay $0x1  }
.Ltmp3:
0xe6: {  	(pc) =	sbr.rel .LBB2_2-.Ltmp3, $3  }
0xe7: {  	_ =	sdelay $0x1  }
0xe8: {  	s0 =	sadd.s32 $0x1000, s18;
	s19 =	sadd.s32 $0x100, s19;
	s18 =	sadd.s32 $0x2000, s18  }
0xe9: {  	[tilespmem:s13], [sflag:$0x2] =	stream.linear.gather [hbm4b:s0+s2], $0x8000, $0x38;
	[tilespmem:$0x10480] =	vst v63  }
.LBB2_5:
0xea: {  	_ =	sfence.sel $0x180000  }
0xeb: {  	[bflag:$0x0] =	sbarrier.arrive $0xFFFF  }
0xec: {  	_ =	strace $0x90000047  }
0xed: {  	s0 =	stileid.u32;
	[bflag:$0x2] =	sbarrier.arrive $0xFFFF  }
0xee: {  	p0 =	sne.s32 s0, $0x0;
	s0 =	rddreg [dreg:$0x3]  }
0xef: {  	s0 =	sadd.s32 @!p0 $0x100000, s0  }
0xf0: {  	[sflag:s0] =	ssyncadd.tile.s32 @!p0 $0x1;
	_ =	shalt  }
.Lfunc_end2:
_tile_overlayer_lowered:
.L_overlay_start_2:
0xf1: {  	(tag) =	ssettag $0x2  }
0xf2: {  	s0 =	rddreg [dreg:$0x0];
	s2 =	stileid.u32  }
0xf3: {  	s1 =	rddreg [dreg:$0x1];
	p0 =	sne.s32 s2, $0x0  }
0xf4: {  	s3 =	rddreg [dreg:$0x2];
	[bflag:$0x3] =	sbarrier.arrive $0xFFFF;
	s2 =	simm.s32 @!p0 $0x1C03  }
0xf5: {  	[timem:s3], [sflag:s2] =	dma.local @!p0 [hbm:s0], s1  }
0xf6: {  	s0 =	simm.s32 @!p0 $0x3  }
0xf7: {  	_ =	swait.ge @!p0 [sflag:s0], s1  }
0xf8: {  	s1 =	ssub.s32 @!p0 $0x0, s1;
	[sflag:s0] =	ssyncset.done @!p0 $0x0  }
0xf9: {  	[sflag:s0] =	ssyncadd.s32 @!p0 s1  }
0xfa: {  	[bflag:$0x3] =	sbarrier.arrive $0xFFFF  }
0xfb: {  	_ =	shalt  }

</sc_bundles>
